<compile_context>
chip_gen: v7x
topology: tpu7x:2x2x1
jax: 0.10.2.dev20260603
libtpu: 0.0.44.dev20260713+nightly
codegen_flags: <defaults>
</compile_context>

<pallas_src>
import jax
import jax.numpy as jnp
import numpy as np
from jax import lax
from jax.experimental import pallas as pl
from jax.experimental.pallas import tpu as pltpu
from jax.experimental.pallas import tpu_sc as plsc

_N_EMAIL, _N_URL, _N_SENDER = 50000, 50000, 10000
_H, _OUT = 64, 8
_E_SB, _E_CT = 200000, 800000
_GRID_SIZE, _SPLINE_ORDER = 5, 3

_NCORE, _NSUB = 2, 16
_NW = _NCORE * _NSUB
_SUP = 1024
_CT_SUPS = 25
_SB_SUPS = 7
_NE_PAD = 51200
_ROWS_PER_SUB = _NE_PAD // _NSUB
_DUMMY = _N_EMAIL
_STAGE = 13

_GRID = (np.arange(-_SPLINE_ORDER, _GRID_SIZE + _SPLINE_ORDER + 1,
                   dtype=np.float32)
         * np.float32(2.0 / _GRID_SIZE) - np.float32(1.0))


def _sc_aggregate(url_tab, snd_tab, ct_dst, ct_src, sb_dst, sb_src):
    f32 = jnp.float32
    mesh = plsc.VectorSubcoreMesh(core_axis_name="c", subcore_axis_name="s")

    def body(url_ref, snd_ref, ctd_ref, cts_ref, sbd_ref, sbs_ref,
             out_ref, di_all, si_all, rows_a, rows_b, acc,
             sem_a, sem_b):
        cid = lax.axis_index("c")
        sid = lax.axis_index("s")
        wid = cid * _NSUB + sid
        base = sid * _ROWS_PER_SUB

        def zr_body(i, c):
            rows_a[i] = jnp.zeros((16,), f32)
            return c
        lax.fori_loop(0, _SUP, zr_body, 0)

        def z_body(i, c):
            pltpu.sync_copy(rows_a, acc.at[pl.ds(base + i * _SUP, _SUP)])
            return c
        lax.fori_loop(0, _ROWS_PER_SUB // _SUP, z_body, 0)
        pltpu.sync_copy(
            rows_a.at[pl.ds(0, 128)],
            acc.at[pl.ds(base + (_ROWS_PER_SUB // _SUP) * _SUP, 128)])
        plsc.subcore_barrier()

        def run_rel(dst_ref, src_ref, table, nsup):
            def gather(j, buf, sem):
                return pltpu.async_copy(table.at[di_all.at[j]], buf, sem)

            def wait(j, buf, sem):
                pltpu.make_async_copy(table.at[di_all.at[j]], buf, sem).wait()

            def scatter(j, buf):
                pltpu.sync_copy(buf, acc.at[si_all.at[j]], add=True)

            for b0 in range(0, nsup, _STAGE):
                nb = min(_STAGE, nsup - b0)
                pltpu.sync_copy(dst_ref.at[wid, pl.ds(b0, nb)],
                                di_all.at[pl.ds(0, nb)])
                pltpu.sync_copy(src_ref.at[wid, pl.ds(b0, nb)],
                                si_all.at[pl.ds(0, nb)])
                gather(0, rows_a, sem_a)

                def pair_body(s2, c):
                    s = 2 * s2
                    gather(s + 1, rows_b, sem_b)
                    wait(s, rows_a, sem_a)
                    scatter(s, rows_a)

                    @pl.when(s + 2 < nb)
                    def _():
                        gather(s + 2, rows_a, sem_a)
                    wait(s + 1, rows_b, sem_b)
                    scatter(s + 1, rows_b)
                    return c
                lax.fori_loop(0, nb // 2, pair_body, 0)
                if nb % 2:
                    wait(nb - 1, rows_a, sem_a)
                    scatter(nb - 1, rows_a)

        run_rel(ctd_ref, cts_ref, url_ref, _CT_SUPS)
        run_rel(sbd_ref, sbs_ref, snd_ref, _SB_SUPS)
        plsc.subcore_barrier()

        pltpu.sync_copy(acc.at[pl.ds(base, _ROWS_PER_SUB)],
                        out_ref.at[cid, pl.ds(base, _ROWS_PER_SUB)])

    call = pl.kernel(
        body,
        out_type=jax.ShapeDtypeStruct((_NCORE, _NE_PAD, 16), f32),
        mesh=mesh,
        scratch_types=[
            pltpu.VMEM((_STAGE, _SUP), jnp.int32),
            pltpu.VMEM((_STAGE, _SUP), jnp.int32),
            pltpu.VMEM((_SUP, 16), f32),
            pltpu.VMEM((_SUP, 16), f32),
            pltpu.VMEM_SHARED((_NE_PAD, 16), f32),
            pltpu.SemaphoreType.DMA,
            pltpu.SemaphoreType.DMA,
        ],
        compiler_params=pltpu.CompilerParams(use_tc_tiling_on_sc=False),
    )
    return call(url_tab, snd_tab, ct_dst, ct_src, sb_dst, sb_src)


def _prep_body(w_email, b_email, w_url, b_url, w_sender, b_sender,
               wrel_se, wrel_ue, wroot_se, wroot_ue, brel_se, brel_ue,
               wc_ref, m_ref, bias_ref):
    f32 = jnp.float32
    wroot = wroot_se[...] + wroot_ue[...]
    wc_ref[...] = lax.dot_general(wroot, w_email[...],
                                  (((1,), (0,)), ((), ())),
                                  preferred_element_type=f32)
    mu_a = lax.dot_general(wrel_ue[...], w_url[...],
                           (((1,), (0,)), ((), ())), preferred_element_type=f32)
    mu_b = lax.dot_general(wrel_ue[...], b_url[...],
                           (((1,), (1,)), ((), ())), preferred_element_type=f32)
    ms_a = lax.dot_general(wrel_se[...], w_sender[...],
                           (((1,), (0,)), ((), ())), preferred_element_type=f32)
    ms_b = lax.dot_general(wrel_se[...], b_sender[...],
                           (((1,), (1,)), ((), ())), preferred_element_type=f32)
    m_ref[...] = jnp.concatenate(
        [mu_a, mu_b, ms_a, ms_b, jnp.zeros((_H, 5), f32)], axis=1)
    bias_ref[...] = brel_se[...] + brel_ue[...] + lax.dot_general(
        b_email[...], wroot, (((1,), (1,)), ((), ())),
        preferred_element_type=f32)


def _prep(W_email, b_email, W_url, b_url, W_sender, b_sender,
          Wrel_se, Wrel_ue, Wroot_se, Wroot_ue, brel_se, brel_ue):
    f32 = jnp.float32
    return pl.pallas_call(
        _prep_body,
        out_shape=[jax.ShapeDtypeStruct((_H, 768), f32),
                   jax.ShapeDtypeStruct((_H, 16), f32),
                   jax.ShapeDtypeStruct((1, _H), f32)],
    )(W_email, b_email.reshape(1, _H), W_url, b_url.reshape(1, _H),
      W_sender, b_sender.reshape(1, _H), Wrel_se, Wrel_ue,
      Wroot_se, Wroot_ue, brel_se.reshape(1, _H), brel_ue.reshape(1, _H))


_BM = 2000


_RANGES = {1: (4, 9), 2: (3, 9), 3: (2, 7)}


def _bspline_cols(x):
    g = _GRID
    ge = {j: (x >= g[j]).astype(x.dtype) for j in range(5, 12)}
    b = {j: ge[j] - ge[j + 1] for j in range(5, 11)}
    for k in range(1, _SPLINE_ORDER + 1):
        lo, hi = _RANGES[k]
        t = {}
        for j in range(lo, hi + 2):
            if j in b:
                r = np.float32(1.0) / (g[j + k] - g[j])
                t[j] = (x - g[j]) * r
        nb = {}
        for j in range(lo, hi + 1):
            acc = None
            if j in b:
                acc = t[j] * b[j]
            if j + 1 in b:
                term = (np.float32(1.0) - t[j + 1]) * b[j + 1]
                acc = term if acc is None else acc + term
            nb[j] = acc
        b = nb
    return [b[j] for j in range(2, 8)]


def _main_body(x_ref, pv_ref, wc_ref, m_ref, bias_ref,
               bw_ref, swp_ref, out_ref):
    f32 = jnp.float32
    root = lax.dot_general(x_ref[...], wc_ref[...],
                           (((1,), (1,)), ((), ())), preferred_element_type=f32)
    agg = pv_ref[0] + pv_ref[1]
    h = (root
         + lax.dot_general(agg, m_ref[...], (((1,), (1,)), ((), ())),
                           preferred_element_type=f32)
         + bias_ref[...])
    h = jnp.maximum(h, 0.0)
    sig = jax.nn.sigmoid(h)
    base = lax.dot_general(h * sig, bw_ref[...], (((1,), (1,)), ((), ())),
                           preferred_element_type=f32)
    cols = jnp.concatenate(_bspline_cols(h), axis=1)
    spl = lax.dot_general(cols, swp_ref[...], (((1,), (1,)), ((), ())),
                          preferred_element_type=f32)
    out_ref[...] = base + spl


def _main(x_email, pv, wc, m, bias, base_weight, sw_perm):
    f32 = jnp.float32
    nblocks = _N_EMAIL // _BM
    return pl.pallas_call(
        _main_body,
        grid=(nblocks,),
        in_specs=[
            pl.BlockSpec((_BM, 768), lambda i: (i, 0)),
            pl.BlockSpec((_NCORE, _BM, 16), lambda i: (0, i, 0)),
            pl.BlockSpec((_H, 768), lambda i: (0, 0)),
            pl.BlockSpec((_H, 16), lambda i: (0, 0)),
            pl.BlockSpec((1, _H), lambda i: (0, 0)),
            pl.BlockSpec((_OUT, _H), lambda i: (0, 0)),
            pl.BlockSpec((_OUT, 6 * _H), lambda i: (0, 0)),
        ],
        out_specs=pl.BlockSpec((_BM, _OUT), lambda i: (i, 0)),
        out_shape=jax.ShapeDtypeStruct((_N_EMAIL, _OUT), f32),
    )(x_email, pv, wc, m, bias, base_weight, sw_perm)


def kernel(x_email, x_url, x_sender, sent_by_src, sent_by_dst,
           contains_src, contains_dst, W_email, b_email, W_url, b_url,
           W_sender, b_sender, Wrel_es, brel_es, Wroot_es, Wrel_eu, brel_eu,
           Wroot_eu, Wrel_se, brel_se, Wroot_se, Wrel_ue, brel_ue, Wroot_ue,
           base_weight, spline_weight):
    f32, i32 = jnp.float32, jnp.int32

    url_tab = jnp.concatenate(
        [x_url, jnp.ones((_N_URL, 1), f32), jnp.zeros((_N_URL, 7), f32)],
        axis=1)
    snd_tab = jnp.concatenate(
        [jnp.zeros((_N_SENDER, 9), f32), x_sender,
         jnp.ones((_N_SENDER, 1), f32), jnp.zeros((_N_SENDER, 5), f32)],
        axis=1)

    def pad_edges(idx, nsup, dummy):
        idx = idx.astype(i32)
        pad = _NW * nsup * _SUP - idx.shape[0]
        if dummy:
            fill = _N_EMAIL + jnp.arange(pad, dtype=i32) % (_NE_PAD - _N_EMAIL)
        else:
            fill = jnp.zeros((pad,), i32)
        return jnp.concatenate([idx, fill]).reshape(_NW, nsup, _SUP)

    ct_dst = pad_edges(contains_dst, _CT_SUPS, False)
    ct_src = pad_edges(contains_src, _CT_SUPS, True)
    sb_dst = pad_edges(sent_by_dst, _SB_SUPS, False)
    sb_src = pad_edges(sent_by_src, _SB_SUPS, True)

    pv = _sc_aggregate(url_tab, snd_tab, ct_dst, ct_src, sb_dst, sb_src)

    wc, m, bias = _prep(W_email, b_email, W_url, b_url, W_sender,
                        b_sender, Wrel_se, Wrel_ue, Wroot_se, Wroot_ue,
                        brel_se, brel_ue)

    sw_perm = spline_weight.transpose(0, 2, 1).reshape(_OUT, 8 * _H)[:, 2 * _H:]

    return _main(x_email, pv, wc, m, bias, base_weight, sw_perm)

# --- scband reference (transcript-rebuilt; emitter-appended) ---
"""Pipeline reference for scband-hkangnn-66597762892080 (READ-ONLY COPY).

The authoritative reference and input builder live on the scoring server;
editing this copy changes nothing except your own understanding.
"""

import jax, jax.numpy as jnp
import numpy as np

N_EMAIL, N_URL, N_SENDER = 50000, 50000, 10000
H, OUT = 64, 8
E_SB, E_CT = 200000, 800000
GRID_SIZE, SPLINE_ORDER = 5, 3


def _lin(k, o, i):
    return jax.random.normal(k, (o, i), jnp.float32) * (1.0 / np.sqrt(i))


def setup_inputs(seed: int = 0):
    key = jax.random.key(seed)
    ks = jax.random.split(key, 24)
    inp = {}
    inp['x_email'] = jax.random.normal(ks[0], (N_EMAIL, 768), jnp.float32)
    inp['x_url'] = jax.random.normal(ks[1], (N_URL, 8), jnp.float32)
    inp['x_sender'] = jax.random.normal(ks[2], (N_SENDER, 1), jnp.float32)
    inp['sent_by_src'] = jax.random.randint(ks[3], (E_SB,), 0, N_EMAIL)
    inp['sent_by_dst'] = jax.random.randint(ks[4], (E_SB,), 0, N_SENDER)
    inp['contains_src'] = jax.random.randint(ks[5], (E_CT,), 0, N_EMAIL)
    inp['contains_dst'] = jax.random.randint(ks[6], (E_CT,), 0, N_URL)
    inp['W_email'] = _lin(ks[7], H, 768)
    inp['b_email'] = jnp.zeros((H,), jnp.float32)
    inp['W_url'] = _lin(ks[8], H, 8)
    inp['b_url'] = jnp.zeros((H,), jnp.float32)
    inp['W_sender'] = _lin(ks[9], H, 1)
    inp['b_sender'] = jnp.zeros((H,), jnp.float32)
    for i, rel in enumerate(['es', 'eu', 'se', 'ue']):
        inp['Wrel_' + rel] = _lin(ks[10 + 2 * i], H, H)
        inp['brel_' + rel] = jnp.zeros((H,), jnp.float32)
        inp['Wroot_' + rel] = _lin(ks[11 + 2 * i], H, H)
    inp['base_weight'] = _lin(ks[20], OUT, H)
    inp['spline_weight'] = jax.random.normal(ks[21], (OUT, H, GRID_SIZE + SPLINE_ORDER), jnp.float32) * 0.1
    return inp


def _gconv(x_src, x_dst, src_idx, dst_idx, W_rel, b_rel, W_root):
    # PyG GraphConv: lin_rel(sum-aggregated neighbor messages) + lin_root(x_dst)
    msg = x_src[src_idx]
    agg = jax.ops.segment_sum(msg, dst_idx, num_segments=x_dst.shape[0])
    return agg @ W_rel.T + b_rel + x_dst @ W_root.T


def _b_splines(x):
    h = 2.0 / GRID_SIZE
    g = jnp.arange(-SPLINE_ORDER, GRID_SIZE + SPLINE_ORDER + 1, dtype=jnp.float32) * h - 1.0
    grid = jnp.broadcast_to(g, (x.shape[1], g.shape[0]))
    xb = x[..., None]
    bases = ((xb >= grid[:, :-1]) & (xb < grid[:, 1:])).astype(x.dtype)
    for k in range(1, SPLINE_ORDER + 1):
        bases = ((xb - grid[:, : -(k + 1)]) / (grid[:, k:-1] - grid[:, : -(k + 1)])) * bases[..., :-1] + ((grid[:, k + 1 :] - xb) / (grid[:, k + 1 :] - grid[:, 1:-k])) * bases[..., 1:]
    return bases


def _kan(x, base_weight, spline_weight):
    base = jax.nn.silu(x) @ base_weight.T
    spl = _b_splines(x).reshape(x.shape[0], -1) @ spline_weight.reshape(spline_weight.shape[0], -1).T
    return base + spl


def reference(x_email, x_url, x_sender, sent_by_src, sent_by_dst, contains_src, contains_dst, W_email, b_email, W_url, b_url, W_sender, b_sender, Wrel_es, brel_es, Wroot_es, Wrel_eu, brel_eu, Wroot_eu, Wrel_se, brel_se, Wroot_se, Wrel_ue, brel_ue, Wroot_ue, base_weight, spline_weight):
    he = x_email @ W_email.T + b_email
    hu = x_url @ W_url.T + b_url
    hs = x_sender @ W_sender.T + b_sender
    out_s = _gconv(he, hs, sent_by_src, sent_by_dst, Wrel_es, brel_es, Wroot_es)
    out_u = _gconv(he, hu, contains_src, contains_dst, Wrel_eu, brel_eu, Wroot_eu)
    out_e = _gconv(hs, he, sent_by_dst, sent_by_src, Wrel_se, brel_se, Wroot_se) + _gconv(hu, he, contains_dst, contains_src, Wrel_ue, brel_ue, Wroot_ue)
    out_e = jax.nn.relu(out_e)
    out_s = jax.nn.relu(out_s)
    out_u = jax.nn.relu(out_u)
    return _kan(out_e, base_weight, spline_weight)

if __name__ == "__main__":
    import jax
    _d = setup_inputs()
    print(jax.jit(kernel)(*tuple(_d.values())))

</pallas_src>

<mosaic_0001>
#map = affine_map<(d0, d1) -> (0, 0)>
#map1 = affine_map<(d0, d1) -> (0, 0, 0)>
module attributes {stable_mosaic.version = 14 : i64} {
  func.func @body(%arg0: i32, %arg1: i32, %arg2: memref<50000x16xf32, #tpu.memory_space<hbm>>, %arg3: memref<10000x16xf32, #tpu.memory_space<hbm>>, %arg4: memref<32x25x1024xi32, #tpu.memory_space<hbm>>, %arg5: memref<32x25x1024xi32, #tpu.memory_space<hbm>>, %arg6: memref<32x7x1024xi32, #tpu.memory_space<hbm>>, %arg7: memref<32x7x1024xi32, #tpu.memory_space<hbm>>, %arg8: memref<2x51200x16xf32, #tpu.memory_space<hbm>>, %arg9: memref<13x1024xi32, #tpu.memory_space<vmem>>, %arg10: memref<13x1024xi32, #tpu.memory_space<vmem>>, %arg11: memref<1024x16xf32, #tpu.memory_space<vmem>>, %arg12: memref<1024x16xf32, #tpu.memory_space<vmem>>, %arg13: memref<51200x16xf32, #tpu.memory_space<vmem_shared>>, %arg14: memref<!tpu.dma_semaphore, #tpu.memory_space<semaphore_mem>>, %arg15: memref<!tpu.dma_semaphore, #tpu.memory_space<semaphore_mem>>) attributes {dimension_semantics = [#tpu.dimension_semantics<core_parallel>, #tpu.dimension_semantics<subcore_parallel>], iteration_bounds = array<i64: 2, 16>, scalar_prefetch = 0 : i64, scratch_operands = 7 : i64, tpu.core_type = #tpu.core_type<sc_vector_subcore>, window_params = [{transform_indices = #map}, {transform_indices = #map}, {transform_indices = #map1}, {transform_indices = #map1}, {transform_indices = #map1}, {transform_indices = #map1}, {transform_indices = #map1}]} {
    %mul3A = arith.constant 16 : i32
    %mul3A_0 = arith.muli %arg0, %mul3A : i32
    %add3A = arith.addi %mul3A_0, %arg1 : i32
    %mul3A_1 = arith.constant 3200 : i32
    %mul3A_2 = arith.muli %arg1, %mul3A_1 : i32
    %scan3A = arith.constant 0 : i32
    %scan3A_3 = arith.constant 0 : i32
    %scan3A_4 = arith.constant 1024 : i32
    %scan3A_5 = arith.addi %scan3A_3, %scan3A_4 : i32
    %scan3A_6 = arith.constant 1 : i32
    scf.for %scan3A_69 = %scan3A_3 to %scan3A_5 step %scan3A_6  : i32 {
      %broadcast_in_dim3A = arith.constant 0.000000e+00 : f32
      %broadcast_in_dim3A_70 = vector.broadcast %broadcast_in_dim3A : f32 to vector<16xf32>
      %swap3A = arith.index_cast %scan3A_69 : i32 to index
      %swap3A_71 = arith.constant 0 : index
      %swap3A_72 = tpu.vector_load %arg11[%swap3A, %swap3A_71] {strides = array<i32>} : memref<1024x16xf32, #tpu.memory_space<vmem>>, vector<1x16xf32>,
      %swap3A_73 = vector.shape_cast %swap3A_72 : vector<1x16xf32> to vector<16xf32>
      %swap3A_74 = vector.shape_cast %broadcast_in_dim3A_70 : vector<16xf32> to vector<1x16xf32>
      tpu.vector_store %arg11[%swap3A, %swap3A_71], %swap3A_74 {strides = array<i32>} : memref<1024x16xf32, #tpu.memory_space<vmem>>, vector<1x16xf32>,
    }
    %scan3A_7 = arith.constant 1024 : i32
    %scan3A_8 = arith.constant 0 : i32
    %scan3A_9 = arith.constant 0 : i32
    %scan3A_10 = arith.constant 3 : i32
    %scan3A_11 = arith.addi %scan3A_9, %scan3A_10 : i32
    %scan3A_12 = arith.constant 1 : i32
    scf.for %scan3A_69 = %scan3A_9 to %scan3A_11 step %scan3A_12  : i32 {
      %mul3A_70 = arith.constant 1024 : i32
      %mul3A_71 = arith.muli %scan3A_69, %mul3A_70 : i32
      %add3A_72 = arith.addi %mul3A_2, %mul3A_71 : i32
      "tpu.region"() ({
        %run_scoped3A_73 = tpu.sem_alloc : memref<!tpu.dma_semaphore, #tpu.memory_space<semaphore_mem>>
        %dma_start3A_74 = arith.constant 0 : i32
        %dma_start3A_75 = tpu.memref_slice %arg13[%add3A_72, %dma_start3A_74] : memref<51200x16xf32, #tpu.memory_space<vmem_shared>> -> memref<1024x16xf32, #tpu.memory_space<vmem_shared>>
        %dma_start3A_76 = arith.constant 0 : i32
        %dma_start3A_77 = tpu.memref_slice %arg13[%add3A_72, %dma_start3A_76] : memref<51200x16xf32, #tpu.memory_space<vmem_shared>> -> memref<1024x16xf32, #tpu.memory_space<vmem_shared>>
        tpu.enqueue_dma source(%arg11 : memref<1024x16xf32, #tpu.memory_space<vmem>>) target(%dma_start3A_77 : memref<1024x16xf32, #tpu.memory_space<vmem_shared>>) target_semaphore(%run_scoped3A_73 : memref<!tpu.dma_semaphore, #tpu.memory_space<semaphore_mem>>)
        %dma_wait3A_78 = arith.constant 0 : i32
        %dma_wait3A_79 = tpu.memref_slice %arg13[%add3A_72, %dma_wait3A_78] : memref<51200x16xf32, #tpu.memory_space<vmem_shared>> -> memref<1024x16xf32, #tpu.memory_space<vmem_shared>>
        %dma_wait3A_80 = arith.constant 0 : i32
        %dma_wait3A_81 = tpu.memref_slice %arg13[%add3A_72, %dma_wait3A_80] : memref<51200x16xf32, #tpu.memory_space<vmem_shared>> -> memref<1024x16xf32, #tpu.memory_space<vmem_shared>>
        tpu.wait_dma2 semaphore(%run_scoped3A_73 : memref<!tpu.dma_semaphore, #tpu.memory_space<semaphore_mem>>) src(%arg11 : memref<1024x16xf32, #tpu.memory_space<vmem>>) dst(%dma_wait3A_81 : memref<1024x16xf32, #tpu.memory_space<vmem_shared>>)
        tpu.yield
      }) : () -> ()
    }
    %scan3A_13 = arith.constant 3 : i32
    %add3A_14 = arith.constant 3072 : i32
    %add3A_15 = arith.addi %mul3A_2, %add3A_14 : i32
    "tpu.region"() ({
      %run_scoped3A_69 = tpu.sem_alloc : memref<!tpu.dma_semaphore, #tpu.memory_space<semaphore_mem>>
      %dma_start3A_70 = arith.constant 0 : i32
      %dma_start3A_71 = arith.constant 0 : i32
      %dma_start3A_72 = tpu.memref_slice %arg11[%dma_start3A_70, %dma_start3A_71] : memref<1024x16xf32, #tpu.memory_space<vmem>> -> memref<128x16xf32, #tpu.memory_space<vmem>>
      %dma_start3A_73 = arith.constant 0 : i32
      %dma_start3A_74 = tpu.memref_slice %arg13[%add3A_15, %dma_start3A_73] : memref<51200x16xf32, #tpu.memory_space<vmem_shared>> -> memref<128x16xf32, #tpu.memory_space<vmem_shared>>
      %dma_start3A_75 = arith.constant 0 : i32
      %dma_start3A_76 = tpu.memref_slice %arg13[%add3A_15, %dma_start3A_75] : memref<51200x16xf32, #tpu.memory_space<vmem_shared>> -> memref<128x16xf32, #tpu.memory_space<vmem_shared>>
      %dma_start3A_77 = arith.constant 0 : i32
      %dma_start3A_78 = arith.constant 0 : i32
      %dma_start3A_79 = tpu.memref_slice %arg11[%dma_start3A_77, %dma_start3A_78] : memref<1024x16xf32, #tpu.memory_space<vmem>> -> memref<128x16xf32, #tpu.memory_space<vmem>>
      tpu.enqueue_dma source(%dma_start3A_79 : memref<128x16xf32, #tpu.memory_space<vmem>>) target(%dma_start3A_76 : memref<128x16xf32, #tpu.memory_space<vmem_shared>>) target_semaphore(%run_scoped3A_69 : memref<!tpu.dma_semaphore, #tpu.memory_space<semaphore_mem>>)
      %dma_wait3A_80 = arith.constant 0 : i32
      %dma_wait3A_81 = arith.constant 0 : i32
      %dma_wait3A_82 = tpu.memref_slice %arg11[%dma_wait3A_80, %dma_wait3A_81] : memref<1024x16xf32, #tpu.memory_space<vmem>> -> memref<128x16xf32, #tpu.memory_space<vmem>>
      %dma_wait3A_83 = arith.constant 0 : i32
      %dma_wait3A_84 = tpu.memref_slice %arg13[%add3A_15, %dma_wait3A_83] : memref<51200x16xf32, #tpu.memory_space<vmem_shared>> -> memref<128x16xf32, #tpu.memory_space<vmem_shared>>
      %dma_wait3A_85 = arith.constant 0 : i32
      %dma_wait3A_86 = tpu.memref_slice %arg13[%add3A_15, %dma_wait3A_85] : memref<51200x16xf32, #tpu.memory_space<vmem_shared>> -> memref<128x16xf32, #tpu.memory_space<vmem_shared>>
      %dma_wait3A_87 = arith.constant 0 : i32
      %dma_wait3A_88 = arith.constant 0 : i32
      %dma_wait3A_89 = tpu.memref_slice %arg11[%dma_wait3A_87, %dma_wait3A_88] : memref<1024x16xf32, #tpu.memory_space<vmem>> -> memref<128x16xf32, #tpu.memory_space<vmem>>
      tpu.wait_dma2 semaphore(%run_scoped3A_69 : memref<!tpu.dma_semaphore, #tpu.memory_space<semaphore_mem>>) src(%dma_wait3A_89 : memref<128x16xf32, #tpu.memory_space<vmem>>) dst(%dma_wait3A_86 : memref<128x16xf32, #tpu.memory_space<vmem_shared>>)
      tpu.yield
    }) : () -> ()
    %barrier3A = arith.constant 0 : index
    tpu.barrier barrier_id(%barrier3A)
    "tpu.region"() ({
      %run_scoped3A_69 = tpu.sem_alloc : memref<!tpu.dma_semaphore, #tpu.memory_space<semaphore_mem>>
      %dma_start3A_70 = arith.constant 0 : i32
      %dma_start3A_71 = arith.constant 0 : i32
      %dma_start3A_72 = tpu.memref_slice %arg9[%dma_start3A_70, %dma_start3A_71] : memref<13x1024xi32, #tpu.memory_space<vmem>> -> memref<13x1024xi32, #tpu.memory_space<vmem>>
      %dma_start3A_73 = arith.constant 0 : i32
      %dma_start3A_74 = arith.constant 0 : i32
      %dma_start3A_75 = tpu.memref_slice %arg4[%add3A, %dma_start3A_73, %dma_start3A_74] : memref<32x25x1024xi32, #tpu.memory_space<hbm>> -> memref<1x13x1024xi32, #tpu.memory_space<hbm>>
      %dma_start3A_76 = tpu.memref_squeeze %dma_start3A_75 : memref<1x13x1024xi32, #tpu.memory_space<hbm>> -> memref<13x1024xi32, #tpu.memory_space<hbm>>
      %dma_start3A_77 = arith.constant 0 : i32
      %dma_start3A_78 = arith.constant 0 : i32
      %dma_start3A_79 = tpu.memref_slice %arg9[%dma_start3A_77, %dma_start3A_78] : memref<13x1024xi32, #tpu.memory_space<vmem>> -> memref<13x1024xi32, #tpu.memory_space<vmem>>
      %dma_start3A_80 = arith.constant 0 : i32
      %dma_start3A_81 = arith.constant 0 : i32
      %dma_start3A_82 = tpu.memref_slice %arg4[%add3A, %dma_start3A_80, %dma_start3A_81] : memref<32x25x1024xi32, #tpu.memory_space<hbm>> -> memref<1x13x1024xi32, #tpu.memory_space<hbm>>
      %dma_start3A_83 = tpu.memref_squeeze %dma_start3A_82 : memref<1x13x1024xi32, #tpu.memory_space<hbm>> -> memref<13x1024xi32, #tpu.memory_space<hbm>>
      tpu.enqueue_dma source(%dma_start3A_83 : memref<13x1024xi32, #tpu.memory_space<hbm>>) target(%dma_start3A_79 : memref<13x1024xi32, #tpu.memory_space<vmem>>) target_semaphore(%run_scoped3A_69 : memref<!tpu.dma_semaphore, #tpu.memory_space<semaphore_mem>>)
      %dma_wait3A_84 = arith.constant 0 : i32
      %dma_wait3A_85 = arith.constant 0 : i32
      %dma_wait3A_86 = tpu.memref_slice %arg9[%dma_wait3A_84, %dma_wait3A_85] : memref<13x1024xi32, #tpu.memory_space<vmem>> -> memref<13x1024xi32, #tpu.memory_space<vmem>>
      %dma_wait3A_87 = arith.constant 0 : i32
      %dma_wait3A_88 = arith.constant 0 : i32
      %dma_wait3A_89 = tpu.memref_slice %arg4[%add3A, %dma_wait3A_87, %dma_wait3A_88] : memref<32x25x1024xi32, #tpu.memory_space<hbm>> -> memref<1x13x1024xi32, #tpu.memory_space<hbm>>
      %dma_wait3A_90 = tpu.memref_squeeze %dma_wait3A_89 : memref<1x13x1024xi32, #tpu.memory_space<hbm>> -> memref<13x1024xi32, #tpu.memory_space<hbm>>
      %dma_wait3A_91 = arith.constant 0 : i32
      %dma_wait3A_92 = arith.constant 0 : i32
      %dma_wait3A_93 = tpu.memref_slice %arg9[%dma_wait3A_91, %dma_wait3A_92] : memref<13x1024xi32, #tpu.memory_space<vmem>> -> memref<13x1024xi32, #tpu.memory_space<vmem>>
      %dma_wait3A_94 = arith.constant 0 : i32
      %dma_wait3A_95 = arith.constant 0 : i32
      %dma_wait3A_96 = tpu.memref_slice %arg4[%add3A, %dma_wait3A_94, %dma_wait3A_95] : memref<32x25x1024xi32, #tpu.memory_space<hbm>> -> memref<1x13x1024xi32, #tpu.memory_space<hbm>>
      %dma_wait3A_97 = tpu.memref_squeeze %dma_wait3A_96 : memref<1x13x1024xi32, #tpu.memory_space<hbm>> -> memref<13x1024xi32, #tpu.memory_space<hbm>>
      tpu.wait_dma2 semaphore(%run_scoped3A_69 : memref<!tpu.dma_semaphore, #tpu.memory_space<semaphore_mem>>) src(%dma_wait3A_97 : memref<13x1024xi32, #tpu.memory_space<hbm>>) dst(%dma_wait3A_93 : memref<13x1024xi32, #tpu.memory_space<vmem>>)
      tpu.yield
    }) : () -> ()
    "tpu.region"() ({
      %run_scoped3A_69 = tpu.sem_alloc : memref<!tpu.dma_semaphore, #tpu.memory_space<semaphore_mem>>
      %dma_start3A_70 = arith.constant 0 : i32
      %dma_start3A_71 = arith.constant 0 : i32
      %dma_start3A_72 = tpu.memref_slice %arg10[%dma_start3A_70, %dma_start3A_71] : memref<13x1024xi32, #tpu.memory_space<vmem>> -> memref<13x1024xi32, #tpu.memory_space<vmem>>
      %dma_start3A_73 = arith.constant 0 : i32
      %dma_start3A_74 = arith.constant 0 : i32
      %dma_start3A_75 = tpu.memref_slice %arg5[%add3A, %dma_start3A_73, %dma_start3A_74] : memref<32x25x1024xi32, #tpu.memory_space<hbm>> -> memref<1x13x1024xi32, #tpu.memory_space<hbm>>
      %dma_start3A_76 = tpu.memref_squeeze %dma_start3A_75 : memref<1x13x1024xi32, #tpu.memory_space<hbm>> -> memref<13x1024xi32, #tpu.memory_space<hbm>>
      %dma_start3A_77 = arith.constant 0 : i32
      %dma_start3A_78 = arith.constant 0 : i32
      %dma_start3A_79 = tpu.memref_slice %arg10[%dma_start3A_77, %dma_start3A_78] : memref<13x1024xi32, #tpu.memory_space<vmem>> -> memref<13x1024xi32, #tpu.memory_space<vmem>>
      %dma_start3A_80 = arith.constant 0 : i32
      %dma_start3A_81 = arith.constant 0 : i32
      %dma_start3A_82 = tpu.memref_slice %arg5[%add3A, %dma_start3A_80, %dma_start3A_81] : memref<32x25x1024xi32, #tpu.memory_space<hbm>> -> memref<1x13x1024xi32, #tpu.memory_space<hbm>>
      %dma_start3A_83 = tpu.memref_squeeze %dma_start3A_82 : memref<1x13x1024xi32, #tpu.memory_space<hbm>> -> memref<13x1024xi32, #tpu.memory_space<hbm>>
      tpu.enqueue_dma source(%dma_start3A_83 : memref<13x1024xi32, #tpu.memory_space<hbm>>) target(%dma_start3A_79 : memref<13x1024xi32, #tpu.memory_space<vmem>>) target_semaphore(%run_scoped3A_69 : memref<!tpu.dma_semaphore, #tpu.memory_space<semaphore_mem>>)
      %dma_wait3A_84 = arith.constant 0 : i32
      %dma_wait3A_85 = arith.constant 0 : i32
      %dma_wait3A_86 = tpu.memref_slice %arg10[%dma_wait3A_84, %dma_wait3A_85] : memref<13x1024xi32, #tpu.memory_space<vmem>> -> memref<13x1024xi32, #tpu.memory_space<vmem>>
      %dma_wait3A_87 = arith.constant 0 : i32
      %dma_wait3A_88 = arith.constant 0 : i32
      %dma_wait3A_89 = tpu.memref_slice %arg5[%add3A, %dma_wait3A_87, %dma_wait3A_88] : memref<32x25x1024xi32, #tpu.memory_space<hbm>> -> memref<1x13x1024xi32, #tpu.memory_space<hbm>>
      %dma_wait3A_90 = tpu.memref_squeeze %dma_wait3A_89 : memref<1x13x1024xi32, #tpu.memory_space<hbm>> -> memref<13x1024xi32, #tpu.memory_space<hbm>>
      %dma_wait3A_91 = arith.constant 0 : i32
      %dma_wait3A_92 = arith.constant 0 : i32
      %dma_wait3A_93 = tpu.memref_slice %arg10[%dma_wait3A_91, %dma_wait3A_92] : memref<13x1024xi32, #tpu.memory_space<vmem>> -> memref<13x1024xi32, #tpu.memory_space<vmem>>
      %dma_wait3A_94 = arith.constant 0 : i32
      %dma_wait3A_95 = arith.constant 0 : i32
      %dma_wait3A_96 = tpu.memref_slice %arg5[%add3A, %dma_wait3A_94, %dma_wait3A_95] : memref<32x25x1024xi32, #tpu.memory_space<hbm>> -> memref<1x13x1024xi32, #tpu.memory_space<hbm>>
      %dma_wait3A_97 = tpu.memref_squeeze %dma_wait3A_96 : memref<1x13x1024xi32, #tpu.memory_space<hbm>> -> memref<13x1024xi32, #tpu.memory_space<hbm>>
      tpu.wait_dma2 semaphore(%run_scoped3A_69 : memref<!tpu.dma_semaphore, #tpu.memory_space<semaphore_mem>>) src(%dma_wait3A_97 : memref<13x1024xi32, #tpu.memory_space<hbm>>) dst(%dma_wait3A_93 : memref<13x1024xi32, #tpu.memory_space<vmem>>)
      tpu.yield
    }) : () -> ()
    %dma_start3A = arith.constant 0 : i32
    %dma_start3A_16 = arith.constant 0 : i32
    %dma_start3A_17 = tpu.memref_slice %arg9[%dma_start3A, %dma_start3A_16] : memref<13x1024xi32, #tpu.memory_space<vmem>> -> memref<1x1024xi32, #tpu.memory_space<vmem>>
    %dma_start3A_18 = tpu.memref_squeeze %dma_start3A_17 : memref<1x1024xi32, #tpu.memory_space<vmem>> -> memref<1024xi32, #tpu.memory_space<vmem>>
    %dma_start3A_19 = arith.constant 0 : i32
    %dma_start3A_20 = arith.constant 0 : i32
    %dma_start3A_21 = tpu.memref_slice %arg2[%dma_start3A_19, %dma_start3A_20] : memref<50000x16xf32, #tpu.memory_space<hbm>> -> memref<50000x16xf32, #tpu.memory_space<hbm>>
    tpu.enqueue_indirect_dma source(%dma_start3A_21 : memref<50000x16xf32, #tpu.memory_space<hbm>>) target(%arg11 : memref<1024x16xf32, #tpu.memory_space<vmem>>) offsets(%dma_start3A_18 : memref<1024xi32, #tpu.memory_space<vmem>>) semaphore(%arg14 : memref<!tpu.dma_semaphore, #tpu.memory_space<semaphore_mem>>)
    %scan3A_22 = arith.constant 0 : i32
    %scan3A_23 = arith.constant 0 : i32
    %scan3A_24 = arith.constant 6 : i32
    %scan3A_25 = arith.addi %scan3A_23, %scan3A_24 : i32
    %scan3A_26 = arith.constant 1 : i32
    scf.for %scan3A_69 = %scan3A_23 to %scan3A_25 step %scan3A_26  : i32 {
      %mul3A_70 = arith.constant 2 : i32
      %mul3A_71 = arith.muli %mul3A_70, %scan3A_69 : i32
      %add3A_72 = arith.constant 1 : i32
      %add3A_73 = arith.addi %mul3A_71, %add3A_72 : i32
      %dma_start3A_74 = arith.constant 0 : i32
      %dma_start3A_75 = tpu.memref_slice %arg9[%add3A_73, %dma_start3A_74] : memref<13x1024xi32, #tpu.memory_space<vmem>> -> memref<1x1024xi32, #tpu.memory_space<vmem>>
      %dma_start3A_76 = tpu.memref_squeeze %dma_start3A_75 : memref<1x1024xi32, #tpu.memory_space<vmem>> -> memref<1024xi32, #tpu.memory_space<vmem>>
      %dma_start3A_77 = arith.constant 0 : i32
      %dma_start3A_78 = arith.constant 0 : i32
      %dma_start3A_79 = tpu.memref_slice %arg2[%dma_start3A_77, %dma_start3A_78] : memref<50000x16xf32, #tpu.memory_space<hbm>> -> memref<50000x16xf32, #tpu.memory_space<hbm>>
      tpu.enqueue_indirect_dma source(%dma_start3A_79 : memref<50000x16xf32, #tpu.memory_space<hbm>>) target(%arg12 : memref<1024x16xf32, #tpu.memory_space<vmem>>) offsets(%dma_start3A_76 : memref<1024xi32, #tpu.memory_space<vmem>>) semaphore(%arg15 : memref<!tpu.dma_semaphore, #tpu.memory_space<semaphore_mem>>)
      %dma_wait3A_80 = arith.constant 0 : i32
      %dma_wait3A_81 = tpu.memref_slice %arg9[%mul3A_71, %dma_wait3A_80] : memref<13x1024xi32, #tpu.memory_space<vmem>> -> memref<1x1024xi32, #tpu.memory_space<vmem>>
      %dma_wait3A_82 = tpu.memref_squeeze %dma_wait3A_81 : memref<1x1024xi32, #tpu.memory_space<vmem>> -> memref<1024xi32, #tpu.memory_space<vmem>>
      %dma_wait3A_83 = arith.constant 0 : i32
      %dma_wait3A_84 = arith.constant 0 : i32
      %dma_wait3A_85 = tpu.memref_slice %arg2[%dma_wait3A_83, %dma_wait3A_84] : memref<50000x16xf32, #tpu.memory_space<hbm>> -> memref<50000x16xf32, #tpu.memory_space<hbm>>
      tpu.wait_indirect_dma semaphore(%arg14 : memref<!tpu.dma_semaphore, #tpu.memory_space<semaphore_mem>>) src(%dma_wait3A_85 : memref<50000x16xf32, #tpu.memory_space<hbm>>) dst(%arg11 : memref<1024x16xf32, #tpu.memory_space<vmem>>)
      "tpu.region"() ({
        %run_scoped3A_100 = tpu.sem_alloc : memref<!tpu.dma_semaphore, #tpu.memory_space<semaphore_mem>>
        %dma_start3A_101 = arith.constant 0 : i32
        %dma_start3A_102 = tpu.memref_slice %arg10[%mul3A_71, %dma_start3A_101] : memref<13x1024xi32, #tpu.memory_space<vmem>> -> memref<1x1024xi32, #tpu.memory_space<vmem>>
        %dma_start3A_103 = tpu.memref_squeeze %dma_start3A_102 : memref<1x1024xi32, #tpu.memory_space<vmem>> -> memref<1024xi32, #tpu.memory_space<vmem>>
        %dma_start3A_104 = arith.constant 0 : i32
        %dma_start3A_105 = arith.constant 0 : i32
        %dma_start3A_106 = tpu.memref_slice %arg13[%dma_start3A_104, %dma_start3A_105] : memref<51200x16xf32, #tpu.memory_space<vmem_shared>> -> memref<51200x16xf32, #tpu.memory_space<vmem_shared>>
        tpu.enqueue_indirect_dma source(%arg11 : memref<1024x16xf32, #tpu.memory_space<vmem>>) target(%dma_start3A_106 : memref<51200x16xf32, #tpu.memory_space<vmem_shared>>) offsets(%dma_start3A_103 : memref<1024xi32, #tpu.memory_space<vmem>>) semaphore(%run_scoped3A_100 : memref<!tpu.dma_semaphore, #tpu.memory_space<semaphore_mem>>) {add = true}
        %dma_wait3A_107 = arith.constant 0 : i32
        %dma_wait3A_108 = tpu.memref_slice %arg10[%mul3A_71, %dma_wait3A_107] : memref<13x1024xi32, #tpu.memory_space<vmem>> -> memref<1x1024xi32, #tpu.memory_space<vmem>>
        %dma_wait3A_109 = tpu.memref_squeeze %dma_wait3A_108 : memref<1x1024xi32, #tpu.memory_space<vmem>> -> memref<1024xi32, #tpu.memory_space<vmem>>
        %dma_wait3A_110 = arith.constant 0 : i32
        %dma_wait3A_111 = arith.constant 0 : i32
        %dma_wait3A_112 = tpu.memref_slice %arg13[%dma_wait3A_110, %dma_wait3A_111] : memref<51200x16xf32, #tpu.memory_space<vmem_shared>> -> memref<51200x16xf32, #tpu.memory_space<vmem_shared>>
        tpu.wait_indirect_dma semaphore(%run_scoped3A_100 : memref<!tpu.dma_semaphore, #tpu.memory_space<semaphore_mem>>) src(%arg11 : memref<1024x16xf32, #tpu.memory_space<vmem>>) dst(%dma_wait3A_112 : memref<51200x16xf32, #tpu.memory_space<vmem_shared>>)
        tpu.yield
      }) : () -> ()
      %add3A_86 = arith.constant 2 : i32
      %add3A_87 = arith.addi %mul3A_71, %add3A_86 : i32
      %lt3A = arith.constant 13 : i32
      %lt3A_88 = arith.cmpi slt, %add3A_87, %lt3A : i32
      %convert_element_type3A = arith.extui %lt3A_88 : i1 to i32
      %cond3A = arith.constant 0 : i32
      %cond3A_89 = arith.cmpi ne, %convert_element_type3A, %cond3A : i32
      scf.if %cond3A_89 {
        %add3A_100 = arith.constant 2 : i32
        %add3A_101 = arith.addi %mul3A_71, %add3A_100 : i32
        %dma_start3A_102 = arith.constant 0 : i32
        %dma_start3A_103 = tpu.memref_slice %arg9[%add3A_101, %dma_start3A_102] : memref<13x1024xi32, #tpu.memory_space<vmem>> -> memref<1x1024xi32, #tpu.memory_space<vmem>>
        %dma_start3A_104 = tpu.memref_squeeze %dma_start3A_103 : memref<1x1024xi32, #tpu.memory_space<vmem>> -> memref<1024xi32, #tpu.memory_space<vmem>>
        %dma_start3A_105 = arith.constant 0 : i32
        %dma_start3A_106 = arith.constant 0 : i32
        %dma_start3A_107 = tpu.memref_slice %arg2[%dma_start3A_105, %dma_start3A_106] : memref<50000x16xf32, #tpu.memory_space<hbm>> -> memref<50000x16xf32, #tpu.memory_space<hbm>>
        tpu.enqueue_indirect_dma source(%dma_start3A_107 : memref<50000x16xf32, #tpu.memory_space<hbm>>) target(%arg11 : memref<1024x16xf32, #tpu.memory_space<vmem>>) offsets(%dma_start3A_104 : memref<1024xi32, #tpu.memory_space<vmem>>) semaphore(%arg14 : memref<!tpu.dma_semaphore, #tpu.memory_space<semaphore_mem>>)
      } else {
      }
      %add3A_90 = arith.constant 1 : i32
      %add3A_91 = arith.addi %mul3A_71, %add3A_90 : i32
      %dma_wait3A_92 = arith.constant 0 : i32
      %dma_wait3A_93 = tpu.memref_slice %arg9[%add3A_91, %dma_wait3A_92] : memref<13x1024xi32, #tpu.memory_space<vmem>> -> memref<1x1024xi32, #tpu.memory_space<vmem>>
      %dma_wait3A_94 = tpu.memref_squeeze %dma_wait3A_93 : memref<1x1024xi32, #tpu.memory_space<vmem>> -> memref<1024xi32, #tpu.memory_space<vmem>>
      %dma_wait3A_95 = arith.constant 0 : i32
      %dma_wait3A_96 = arith.constant 0 : i32
      %dma_wait3A_97 = tpu.memref_slice %arg2[%dma_wait3A_95, %dma_wait3A_96] : memref<50000x16xf32, #tpu.memory_space<hbm>> -> memref<50000x16xf32, #tpu.memory_space<hbm>>
      tpu.wait_indirect_dma semaphore(%arg15 : memref<!tpu.dma_semaphore, #tpu.memory_space<semaphore_mem>>) src(%dma_wait3A_97 : memref<50000x16xf32, #tpu.memory_space<hbm>>) dst(%arg12 : memref<1024x16xf32, #tpu.memory_space<vmem>>)
      %add3A_98 = arith.constant 1 : i32
      %add3A_99 = arith.addi %mul3A_71, %add3A_98 : i32
      "tpu.region"() ({
        %run_scoped3A_100 = tpu.sem_alloc : memref<!tpu.dma_semaphore, #tpu.memory_space<semaphore_mem>>
        %dma_start3A_101 = arith.constant 0 : i32
        %dma_start3A_102 = tpu.memref_slice %arg10[%add3A_99, %dma_start3A_101] : memref<13x1024xi32, #tpu.memory_space<vmem>> -> memref<1x1024xi32, #tpu.memory_space<vmem>>
        %dma_start3A_103 = tpu.memref_squeeze %dma_start3A_102 : memref<1x1024xi32, #tpu.memory_space<vmem>> -> memref<1024xi32, #tpu.memory_space<vmem>>
        %dma_start3A_104 = arith.constant 0 : i32
        %dma_start3A_105 = arith.constant 0 : i32
        %dma_start3A_106 = tpu.memref_slice %arg13[%dma_start3A_104, %dma_start3A_105] : memref<51200x16xf32, #tpu.memory_space<vmem_shared>> -> memref<51200x16xf32, #tpu.memory_space<vmem_shared>>
        tpu.enqueue_indirect_dma source(%arg12 : memref<1024x16xf32, #tpu.memory_space<vmem>>) target(%dma_start3A_106 : memref<51200x16xf32, #tpu.memory_space<vmem_shared>>) offsets(%dma_start3A_103 : memref<1024xi32, #tpu.memory_space<vmem>>) semaphore(%run_scoped3A_100 : memref<!tpu.dma_semaphore, #tpu.memory_space<semaphore_mem>>) {add = true}
        %dma_wait3A_107 = arith.constant 0 : i32
        %dma_wait3A_108 = tpu.memref_slice %arg10[%add3A_99, %dma_wait3A_107] : memref<13x1024xi32, #tpu.memory_space<vmem>> -> memref<1x1024xi32, #tpu.memory_space<vmem>>
        %dma_wait3A_109 = tpu.memref_squeeze %dma_wait3A_108 : memref<1x1024xi32, #tpu.memory_space<vmem>> -> memref<1024xi32, #tpu.memory_space<vmem>>
        %dma_wait3A_110 = arith.constant 0 : i32
        %dma_wait3A_111 = arith.constant 0 : i32
        %dma_wait3A_112 = tpu.memref_slice %arg13[%dma_wait3A_110, %dma_wait3A_111] : memref<51200x16xf32, #tpu.memory_space<vmem_shared>> -> memref<51200x16xf32, #tpu.memory_space<vmem_shared>>
        tpu.wait_indirect_dma semaphore(%run_scoped3A_100 : memref<!tpu.dma_semaphore, #tpu.memory_space<semaphore_mem>>) src(%arg12 : memref<1024x16xf32, #tpu.memory_space<vmem>>) dst(%dma_wait3A_112 : memref<51200x16xf32, #tpu.memory_space<vmem_shared>>)
        tpu.yield
      }) : () -> ()
    }
    %scan3A_27 = arith.constant 6 : i32
    %dma_wait3A = arith.constant 12 : i32
    %dma_wait3A_28 = arith.constant 0 : i32
    %dma_wait3A_29 = tpu.memref_slice %arg9[%dma_wait3A, %dma_wait3A_28] : memref<13x1024xi32, #tpu.memory_space<vmem>> -> memref<1x1024xi32, #tpu.memory_space<vmem>>
    %dma_wait3A_30 = tpu.memref_squeeze %dma_wait3A_29 : memref<1x1024xi32, #tpu.memory_space<vmem>> -> memref<1024xi32, #tpu.memory_space<vmem>>
    %dma_wait3A_31 = arith.constant 0 : i32
    %dma_wait3A_32 = arith.constant 0 : i32
    %dma_wait3A_33 = tpu.memref_slice %arg2[%dma_wait3A_31, %dma_wait3A_32] : memref<50000x16xf32, #tpu.memory_space<hbm>> -> memref<50000x16xf32, #tpu.memory_space<hbm>>
    tpu.wait_indirect_dma semaphore(%arg14 : memref<!tpu.dma_semaphore, #tpu.memory_space<semaphore_mem>>) src(%dma_wait3A_33 : memref<50000x16xf32, #tpu.memory_space<hbm>>) dst(%arg11 : memref<1024x16xf32, #tpu.memory_space<vmem>>)
    %run_scoped3A = arith.constant 12 : i32
    "tpu.region"() ({
      %run_scoped3A_69 = tpu.sem_alloc : memref<!tpu.dma_semaphore, #tpu.memory_space<semaphore_mem>>
      %dma_start3A_70 = arith.constant 0 : i32
      %dma_start3A_71 = tpu.memref_slice %arg10[%run_scoped3A, %dma_start3A_70] : memref<13x1024xi32, #tpu.memory_space<vmem>> -> memref<1x1024xi32, #tpu.memory_space<vmem>>
      %dma_start3A_72 = tpu.memref_squeeze %dma_start3A_71 : memref<1x1024xi32, #tpu.memory_space<vmem>> -> memref<1024xi32, #tpu.memory_space<vmem>>
      %dma_start3A_73 = arith.constant 0 : i32
      %dma_start3A_74 = arith.constant 0 : i32
      %dma_start3A_75 = tpu.memref_slice %arg13[%dma_start3A_73, %dma_start3A_74] : memref<51200x16xf32, #tpu.memory_space<vmem_shared>> -> memref<51200x16xf32, #tpu.memory_space<vmem_shared>>
      tpu.enqueue_indirect_dma source(%arg11 : memref<1024x16xf32, #tpu.memory_space<vmem>>) target(%dma_start3A_75 : memref<51200x16xf32, #tpu.memory_space<vmem_shared>>) offsets(%dma_start3A_72 : memref<1024xi32, #tpu.memory_space<vmem>>) semaphore(%run_scoped3A_69 : memref<!tpu.dma_semaphore, #tpu.memory_space<semaphore_mem>>) {add = true}
      %dma_wait3A_76 = arith.constant 0 : i32
      %dma_wait3A_77 = tpu.memref_slice %arg10[%run_scoped3A, %dma_wait3A_76] : memref<13x1024xi32, #tpu.memory_space<vmem>> -> memref<1x1024xi32, #tpu.memory_space<vmem>>
      %dma_wait3A_78 = tpu.memref_squeeze %dma_wait3A_77 : memref<1x1024xi32, #tpu.memory_space<vmem>> -> memref<1024xi32, #tpu.memory_space<vmem>>
      %dma_wait3A_79 = arith.constant 0 : i32
      %dma_wait3A_80 = arith.constant 0 : i32
      %dma_wait3A_81 = tpu.memref_slice %arg13[%dma_wait3A_79, %dma_wait3A_80] : memref<51200x16xf32, #tpu.memory_space<vmem_shared>> -> memref<51200x16xf32, #tpu.memory_space<vmem_shared>>
      tpu.wait_indirect_dma semaphore(%run_scoped3A_69 : memref<!tpu.dma_semaphore, #tpu.memory_space<semaphore_mem>>) src(%arg11 : memref<1024x16xf32, #tpu.memory_space<vmem>>) dst(%dma_wait3A_81 : memref<51200x16xf32, #tpu.memory_space<vmem_shared>>)
      tpu.yield
    }) : () -> ()
    "tpu.region"() ({
      %run_scoped3A_69 = tpu.sem_alloc : memref<!tpu.dma_semaphore, #tpu.memory_space<semaphore_mem>>
      %dma_start3A_70 = arith.constant 0 : i32
      %dma_start3A_71 = arith.constant 0 : i32
      %dma_start3A_72 = tpu.memref_slice %arg9[%dma_start3A_70, %dma_start3A_71] : memref<13x1024xi32, #tpu.memory_space<vmem>> -> memref<12x1024xi32, #tpu.memory_space<vmem>>
      %dma_start3A_73 = arith.constant 13 : i32
      %dma_start3A_74 = arith.constant 0 : i32
      %dma_start3A_75 = tpu.memref_slice %arg4[%add3A, %dma_start3A_73, %dma_start3A_74] : memref<32x25x1024xi32, #tpu.memory_space<hbm>> -> memref<1x12x1024xi32, #tpu.memory_space<hbm>>
      %dma_start3A_76 = tpu.memref_squeeze %dma_start3A_75 : memref<1x12x1024xi32, #tpu.memory_space<hbm>> -> memref<12x1024xi32, #tpu.memory_space<hbm>>
      %dma_start3A_77 = arith.constant 0 : i32
      %dma_start3A_78 = arith.constant 0 : i32
      %dma_start3A_79 = tpu.memref_slice %arg9[%dma_start3A_77, %dma_start3A_78] : memref<13x1024xi32, #tpu.memory_space<vmem>> -> memref<12x1024xi32, #tpu.memory_space<vmem>>
      %dma_start3A_80 = arith.constant 13 : i32
      %dma_start3A_81 = arith.constant 0 : i32
      %dma_start3A_82 = tpu.memref_slice %arg4[%add3A, %dma_start3A_80, %dma_start3A_81] : memref<32x25x1024xi32, #tpu.memory_space<hbm>> -> memref<1x12x1024xi32, #tpu.memory_space<hbm>>
      %dma_start3A_83 = tpu.memref_squeeze %dma_start3A_82 : memref<1x12x1024xi32, #tpu.memory_space<hbm>> -> memref<12x1024xi32, #tpu.memory_space<hbm>>
      tpu.enqueue_dma source(%dma_start3A_83 : memref<12x1024xi32, #tpu.memory_space<hbm>>) target(%dma_start3A_79 : memref<12x1024xi32, #tpu.memory_space<vmem>>) target_semaphore(%run_scoped3A_69 : memref<!tpu.dma_semaphore, #tpu.memory_space<semaphore_mem>>)
      %dma_wait3A_84 = arith.constant 0 : i32
      %dma_wait3A_85 = arith.constant 0 : i32
      %dma_wait3A_86 = tpu.memref_slice %arg9[%dma_wait3A_84, %dma_wait3A_85] : memref<13x1024xi32, #tpu.memory_space<vmem>> -> memref<12x1024xi32, #tpu.memory_space<vmem>>
      %dma_wait3A_87 = arith.constant 13 : i32
      %dma_wait3A_88 = arith.constant 0 : i32
      %dma_wait3A_89 = tpu.memref_slice %arg4[%add3A, %dma_wait3A_87, %dma_wait3A_88] : memref<32x25x1024xi32, #tpu.memory_space<hbm>> -> memref<1x12x1024xi32, #tpu.memory_space<hbm>>
      %dma_wait3A_90 = tpu.memref_squeeze %dma_wait3A_89 : memref<1x12x1024xi32, #tpu.memory_space<hbm>> -> memref<12x1024xi32, #tpu.memory_space<hbm>>
      %dma_wait3A_91 = arith.constant 0 : i32
      %dma_wait3A_92 = arith.constant 0 : i32
      %dma_wait3A_93 = tpu.memref_slice %arg9[%dma_wait3A_91, %dma_wait3A_92] : memref<13x1024xi32, #tpu.memory_space<vmem>> -> memref<12x1024xi32, #tpu.memory_space<vmem>>
      %dma_wait3A_94 = arith.constant 13 : i32
      %dma_wait3A_95 = arith.constant 0 : i32
      %dma_wait3A_96 = tpu.memref_slice %arg4[%add3A, %dma_wait3A_94, %dma_wait3A_95] : memref<32x25x1024xi32, #tpu.memory_space<hbm>> -> memref<1x12x1024xi32, #tpu.memory_space<hbm>>
      %dma_wait3A_97 = tpu.memref_squeeze %dma_wait3A_96 : memref<1x12x1024xi32, #tpu.memory_space<hbm>> -> memref<12x1024xi32, #tpu.memory_space<hbm>>
      tpu.wait_dma2 semaphore(%run_scoped3A_69 : memref<!tpu.dma_semaphore, #tpu.memory_space<semaphore_mem>>) src(%dma_wait3A_97 : memref<12x1024xi32, #tpu.memory_space<hbm>>) dst(%dma_wait3A_93 : memref<12x1024xi32, #tpu.memory_space<vmem>>)
      tpu.yield
    }) : () -> ()
    "tpu.region"() ({
      %run_scoped3A_69 = tpu.sem_alloc : memref<!tpu.dma_semaphore, #tpu.memory_space<semaphore_mem>>
      %dma_start3A_70 = arith.constant 0 : i32
      %dma_start3A_71 = arith.constant 0 : i32
      %dma_start3A_72 = tpu.memref_slice %arg10[%dma_start3A_70, %dma_start3A_71] : memref<13x1024xi32, #tpu.memory_space<vmem>> -> memref<12x1024xi32, #tpu.memory_space<vmem>>
      %dma_start3A_73 = arith.constant 13 : i32
      %dma_start3A_74 = arith.constant 0 : i32
      %dma_start3A_75 = tpu.memref_slice %arg5[%add3A, %dma_start3A_73, %dma_start3A_74] : memref<32x25x1024xi32, #tpu.memory_space<hbm>> -> memref<1x12x1024xi32, #tpu.memory_space<hbm>>
      %dma_start3A_76 = tpu.memref_squeeze %dma_start3A_75 : memref<1x12x1024xi32, #tpu.memory_space<hbm>> -> memref<12x1024xi32, #tpu.memory_space<hbm>>
      %dma_start3A_77 = arith.constant 0 : i32
      %dma_start3A_78 = arith.constant 0 : i32
      %dma_start3A_79 = tpu.memref_slice %arg10[%dma_start3A_77, %dma_start3A_78] : memref<13x1024xi32, #tpu.memory_space<vmem>> -> memref<12x1024xi32, #tpu.memory_space<vmem>>
      %dma_start3A_80 = arith.constant 13 : i32
      %dma_start3A_81 = arith.constant 0 : i32
      %dma_start3A_82 = tpu.memref_slice %arg5[%add3A, %dma_start3A_80, %dma_start3A_81] : memref<32x25x1024xi32, #tpu.memory_space<hbm>> -> memref<1x12x1024xi32, #tpu.memory_space<hbm>>
      %dma_start3A_83 = tpu.memref_squeeze %dma_start3A_82 : memref<1x12x1024xi32, #tpu.memory_space<hbm>> -> memref<12x1024xi32, #tpu.memory_space<hbm>>
      tpu.enqueue_dma source(%dma_start3A_83 : memref<12x1024xi32, #tpu.memory_space<hbm>>) target(%dma_start3A_79 : memref<12x1024xi32, #tpu.memory_space<vmem>>) target_semaphore(%run_scoped3A_69 : memref<!tpu.dma_semaphore, #tpu.memory_space<semaphore_mem>>)
      %dma_wait3A_84 = arith.constant 0 : i32
      %dma_wait3A_85 = arith.constant 0 : i32
      %dma_wait3A_86 = tpu.memref_slice %arg10[%dma_wait3A_84, %dma_wait3A_85] : memref<13x1024xi32, #tpu.memory_space<vmem>> -> memref<12x1024xi32, #tpu.memory_space<vmem>>
      %dma_wait3A_87 = arith.constant 13 : i32
      %dma_wait3A_88 = arith.constant 0 : i32
      %dma_wait3A_89 = tpu.memref_slice %arg5[%add3A, %dma_wait3A_87, %dma_wait3A_88] : memref<32x25x1024xi32, #tpu.memory_space<hbm>> -> memref<1x12x1024xi32, #tpu.memory_space<hbm>>
      %dma_wait3A_90 = tpu.memref_squeeze %dma_wait3A_89 : memref<1x12x1024xi32, #tpu.memory_space<hbm>> -> memref<12x1024xi32, #tpu.memory_space<hbm>>
      %dma_wait3A_91 = arith.constant 0 : i32
      %dma_wait3A_92 = arith.constant 0 : i32
      %dma_wait3A_93 = tpu.memref_slice %arg10[%dma_wait3A_91, %dma_wait3A_92] : memref<13x1024xi32, #tpu.memory_space<vmem>> -> memref<12x1024xi32, #tpu.memory_space<vmem>>
      %dma_wait3A_94 = arith.constant 13 : i32
      %dma_wait3A_95 = arith.constant 0 : i32
      %dma_wait3A_96 = tpu.memref_slice %arg5[%add3A, %dma_wait3A_94, %dma_wait3A_95] : memref<32x25x1024xi32, #tpu.memory_space<hbm>> -> memref<1x12x1024xi32, #tpu.memory_space<hbm>>
      %dma_wait3A_97 = tpu.memref_squeeze %dma_wait3A_96 : memref<1x12x1024xi32, #tpu.memory_space<hbm>> -> memref<12x1024xi32, #tpu.memory_space<hbm>>
      tpu.wait_dma2 semaphore(%run_scoped3A_69 : memref<!tpu.dma_semaphore, #tpu.memory_space<semaphore_mem>>) src(%dma_wait3A_97 : memref<12x1024xi32, #tpu.memory_space<hbm>>) dst(%dma_wait3A_93 : memref<12x1024xi32, #tpu.memory_space<vmem>>)
      tpu.yield
    }) : () -> ()
    %dma_start3A_34 = arith.constant 0 : i32
    %dma_start3A_35 = arith.constant 0 : i32
    %dma_start3A_36 = tpu.memref_slice %arg9[%dma_start3A_34, %dma_start3A_35] : memref<13x1024xi32, #tpu.memory_space<vmem>> -> memref<1x1024xi32, #tpu.memory_space<vmem>>
    %dma_start3A_37 = tpu.memref_squeeze %dma_start3A_36 : memref<1x1024xi32, #tpu.memory_space<vmem>> -> memref<1024xi32, #tpu.memory_space<vmem>>
    %dma_start3A_38 = arith.constant 0 : i32
    %dma_start3A_39 = arith.constant 0 : i32
    %dma_start3A_40 = tpu.memref_slice %arg2[%dma_start3A_38, %dma_start3A_39] : memref<50000x16xf32, #tpu.memory_space<hbm>> -> memref<50000x16xf32, #tpu.memory_space<hbm>>
    tpu.enqueue_indirect_dma source(%dma_start3A_40 : memref<50000x16xf32, #tpu.memory_space<hbm>>) target(%arg11 : memref<1024x16xf32, #tpu.memory_space<vmem>>) offsets(%dma_start3A_37 : memref<1024xi32, #tpu.memory_space<vmem>>) semaphore(%arg14 : memref<!tpu.dma_semaphore, #tpu.memory_space<semaphore_mem>>)
    %scan3A_41 = arith.constant 0 : i32
    %scan3A_42 = arith.constant 0 : i32
    %scan3A_43 = arith.constant 6 : i32
    %scan3A_44 = arith.addi %scan3A_42, %scan3A_43 : i32
    %scan3A_45 = arith.constant 1 : i32
    scf.for %scan3A_69 = %scan3A_42 to %scan3A_44 step %scan3A_45  : i32 {
      %mul3A_70 = arith.constant 2 : i32
      %mul3A_71 = arith.muli %mul3A_70, %scan3A_69 : i32
      %add3A_72 = arith.constant 1 : i32
      %add3A_73 = arith.addi %mul3A_71, %add3A_72 : i32
      %dma_start3A_74 = arith.constant 0 : i32
      %dma_start3A_75 = tpu.memref_slice %arg9[%add3A_73, %dma_start3A_74] : memref<13x1024xi32, #tpu.memory_space<vmem>> -> memref<1x1024xi32, #tpu.memory_space<vmem>>
      %dma_start3A_76 = tpu.memref_squeeze %dma_start3A_75 : memref<1x1024xi32, #tpu.memory_space<vmem>> -> memref<1024xi32, #tpu.memory_space<vmem>>
      %dma_start3A_77 = arith.constant 0 : i32
      %dma_start3A_78 = arith.constant 0 : i32
      %dma_start3A_79 = tpu.memref_slice %arg2[%dma_start3A_77, %dma_start3A_78] : memref<50000x16xf32, #tpu.memory_space<hbm>> -> memref<50000x16xf32, #tpu.memory_space<hbm>>
      tpu.enqueue_indirect_dma source(%dma_start3A_79 : memref<50000x16xf32, #tpu.memory_space<hbm>>) target(%arg12 : memref<1024x16xf32, #tpu.memory_space<vmem>>) offsets(%dma_start3A_76 : memref<1024xi32, #tpu.memory_space<vmem>>) semaphore(%arg15 : memref<!tpu.dma_semaphore, #tpu.memory_space<semaphore_mem>>)
      %dma_wait3A_80 = arith.constant 0 : i32
      %dma_wait3A_81 = tpu.memref_slice %arg9[%mul3A_71, %dma_wait3A_80] : memref<13x1024xi32, #tpu.memory_space<vmem>> -> memref<1x1024xi32, #tpu.memory_space<vmem>>
      %dma_wait3A_82 = tpu.memref_squeeze %dma_wait3A_81 : memref<1x1024xi32, #tpu.memory_space<vmem>> -> memref<1024xi32, #tpu.memory_space<vmem>>
      %dma_wait3A_83 = arith.constant 0 : i32
      %dma_wait3A_84 = arith.constant 0 : i32
      %dma_wait3A_85 = tpu.memref_slice %arg2[%dma_wait3A_83, %dma_wait3A_84] : memref<50000x16xf32, #tpu.memory_space<hbm>> -> memref<50000x16xf32, #tpu.memory_space<hbm>>
      tpu.wait_indirect_dma semaphore(%arg14 : memref<!tpu.dma_semaphore, #tpu.memory_space<semaphore_mem>>) src(%dma_wait3A_85 : memref<50000x16xf32, #tpu.memory_space<hbm>>) dst(%arg11 : memref<1024x16xf32, #tpu.memory_space<vmem>>)
      "tpu.region"() ({
        %run_scoped3A_100 = tpu.sem_alloc : memref<!tpu.dma_semaphore, #tpu.memory_space<semaphore_mem>>
        %dma_start3A_101 = arith.constant 0 : i32
        %dma_start3A_102 = tpu.memref_slice %arg10[%mul3A_71, %dma_start3A_101] : memref<13x1024xi32, #tpu.memory_space<vmem>> -> memref<1x1024xi32, #tpu.memory_space<vmem>>
        %dma_start3A_103 = tpu.memref_squeeze %dma_start3A_102 : memref<1x1024xi32, #tpu.memory_space<vmem>> -> memref<1024xi32, #tpu.memory_space<vmem>>
        %dma_start3A_104 = arith.constant 0 : i32
        %dma_start3A_105 = arith.constant 0 : i32
        %dma_start3A_106 = tpu.memref_slice %arg13[%dma_start3A_104, %dma_start3A_105] : memref<51200x16xf32, #tpu.memory_space<vmem_shared>> -> memref<51200x16xf32, #tpu.memory_space<vmem_shared>>
        tpu.enqueue_indirect_dma source(%arg11 : memref<1024x16xf32, #tpu.memory_space<vmem>>) target(%dma_start3A_106 : memref<51200x16xf32, #tpu.memory_space<vmem_shared>>) offsets(%dma_start3A_103 : memref<1024xi32, #tpu.memory_space<vmem>>) semaphore(%run_scoped3A_100 : memref<!tpu.dma_semaphore, #tpu.memory_space<semaphore_mem>>) {add = true}
        %dma_wait3A_107 = arith.constant 0 : i32
        %dma_wait3A_108 = tpu.memref_slice %arg10[%mul3A_71, %dma_wait3A_107] : memref<13x1024xi32, #tpu.memory_space<vmem>> -> memref<1x1024xi32, #tpu.memory_space<vmem>>
        %dma_wait3A_109 = tpu.memref_squeeze %dma_wait3A_108 : memref<1x1024xi32, #tpu.memory_space<vmem>> -> memref<1024xi32, #tpu.memory_space<vmem>>
        %dma_wait3A_110 = arith.constant 0 : i32
        %dma_wait3A_111 = arith.constant 0 : i32
        %dma_wait3A_112 = tpu.memref_slice %arg13[%dma_wait3A_110, %dma_wait3A_111] : memref<51200x16xf32, #tpu.memory_space<vmem_shared>> -> memref<51200x16xf32, #tpu.memory_space<vmem_shared>>
        tpu.wait_indirect_dma semaphore(%run_scoped3A_100 : memref<!tpu.dma_semaphore, #tpu.memory_space<semaphore_mem>>) src(%arg11 : memref<1024x16xf32, #tpu.memory_space<vmem>>) dst(%dma_wait3A_112 : memref<51200x16xf32, #tpu.memory_space<vmem_shared>>)
        tpu.yield
      }) : () -> ()
      %add3A_86 = arith.constant 2 : i32
      %add3A_87 = arith.addi %mul3A_71, %add3A_86 : i32
      %lt3A = arith.constant 12 : i32
      %lt3A_88 = arith.cmpi slt, %add3A_87, %lt3A : i32
      %convert_element_type3A = arith.extui %lt3A_88 : i1 to i32
      %cond3A = arith.constant 0 : i32
      %cond3A_89 = arith.cmpi ne, %convert_element_type3A, %cond3A : i32
      scf.if %cond3A_89 {
        %add3A_100 = arith.constant 2 : i32
        %add3A_101 = arith.addi %mul3A_71, %add3A_100 : i32
        %dma_start3A_102 = arith.constant 0 : i32
        %dma_start3A_103 = tpu.memref_slice %arg9[%add3A_101, %dma_start3A_102] : memref<13x1024xi32, #tpu.memory_space<vmem>> -> memref<1x1024xi32, #tpu.memory_space<vmem>>
        %dma_start3A_104 = tpu.memref_squeeze %dma_start3A_103 : memref<1x1024xi32, #tpu.memory_space<vmem>> -> memref<1024xi32, #tpu.memory_space<vmem>>
        %dma_start3A_105 = arith.constant 0 : i32
        %dma_start3A_106 = arith.constant 0 : i32
        %dma_start3A_107 = tpu.memref_slice %arg2[%dma_start3A_105, %dma_start3A_106] : memref<50000x16xf32, #tpu.memory_space<hbm>> -> memref<50000x16xf32, #tpu.memory_space<hbm>>
        tpu.enqueue_indirect_dma source(%dma_start3A_107 : memref<50000x16xf32, #tpu.memory_space<hbm>>) target(%arg11 : memref<1024x16xf32, #tpu.memory_space<vmem>>) offsets(%dma_start3A_104 : memref<1024xi32, #tpu.memory_space<vmem>>) semaphore(%arg14 : memref<!tpu.dma_semaphore, #tpu.memory_space<semaphore_mem>>)
      } else {
      }
      %add3A_90 = arith.constant 1 : i32
      %add3A_91 = arith.addi %mul3A_71, %add3A_90 : i32
      %dma_wait3A_92 = arith.constant 0 : i32
      %dma_wait3A_93 = tpu.memref_slice %arg9[%add3A_91, %dma_wait3A_92] : memref<13x1024xi32, #tpu.memory_space<vmem>> -> memref<1x1024xi32, #tpu.memory_space<vmem>>
      %dma_wait3A_94 = tpu.memref_squeeze %dma_wait3A_93 : memref<1x1024xi32, #tpu.memory_space<vmem>> -> memref<1024xi32, #tpu.memory_space<vmem>>
      %dma_wait3A_95 = arith.constant 0 : i32
      %dma_wait3A_96 = arith.constant 0 : i32
      %dma_wait3A_97 = tpu.memref_slice %arg2[%dma_wait3A_95, %dma_wait3A_96] : memref<50000x16xf32, #tpu.memory_space<hbm>> -> memref<50000x16xf32, #tpu.memory_space<hbm>>
      tpu.wait_indirect_dma semaphore(%arg15 : memref<!tpu.dma_semaphore, #tpu.memory_space<semaphore_mem>>) src(%dma_wait3A_97 : memref<50000x16xf32, #tpu.memory_space<hbm>>) dst(%arg12 : memref<1024x16xf32, #tpu.memory_space<vmem>>)
      %add3A_98 = arith.constant 1 : i32
      %add3A_99 = arith.addi %mul3A_71, %add3A_98 : i32
      "tpu.region"() ({
        %run_scoped3A_100 = tpu.sem_alloc : memref<!tpu.dma_semaphore, #tpu.memory_space<semaphore_mem>>
        %dma_start3A_101 = arith.constant 0 : i32
        %dma_start3A_102 = tpu.memref_slice %arg10[%add3A_99, %dma_start3A_101] : memref<13x1024xi32, #tpu.memory_space<vmem>> -> memref<1x1024xi32, #tpu.memory_space<vmem>>
        %dma_start3A_103 = tpu.memref_squeeze %dma_start3A_102 : memref<1x1024xi32, #tpu.memory_space<vmem>> -> memref<1024xi32, #tpu.memory_space<vmem>>
        %dma_start3A_104 = arith.constant 0 : i32
        %dma_start3A_105 = arith.constant 0 : i32
        %dma_start3A_106 = tpu.memref_slice %arg13[%dma_start3A_104, %dma_start3A_105] : memref<51200x16xf32, #tpu.memory_space<vmem_shared>> -> memref<51200x16xf32, #tpu.memory_space<vmem_shared>>
        tpu.enqueue_indirect_dma source(%arg12 : memref<1024x16xf32, #tpu.memory_space<vmem>>) target(%dma_start3A_106 : memref<51200x16xf32, #tpu.memory_space<vmem_shared>>) offsets(%dma_start3A_103 : memref<1024xi32, #tpu.memory_space<vmem>>) semaphore(%run_scoped3A_100 : memref<!tpu.dma_semaphore, #tpu.memory_space<semaphore_mem>>) {add = true}
        %dma_wait3A_107 = arith.constant 0 : i32
        %dma_wait3A_108 = tpu.memref_slice %arg10[%add3A_99, %dma_wait3A_107] : memref<13x1024xi32, #tpu.memory_space<vmem>> -> memref<1x1024xi32, #tpu.memory_space<vmem>>
        %dma_wait3A_109 = tpu.memref_squeeze %dma_wait3A_108 : memref<1x1024xi32, #tpu.memory_space<vmem>> -> memref<1024xi32, #tpu.memory_space<vmem>>
        %dma_wait3A_110 = arith.constant 0 : i32
        %dma_wait3A_111 = arith.constant 0 : i32
        %dma_wait3A_112 = tpu.memref_slice %arg13[%dma_wait3A_110, %dma_wait3A_111] : memref<51200x16xf32, #tpu.memory_space<vmem_shared>> -> memref<51200x16xf32, #tpu.memory_space<vmem_shared>>
        tpu.wait_indirect_dma semaphore(%run_scoped3A_100 : memref<!tpu.dma_semaphore, #tpu.memory_space<semaphore_mem>>) src(%arg12 : memref<1024x16xf32, #tpu.memory_space<vmem>>) dst(%dma_wait3A_112 : memref<51200x16xf32, #tpu.memory_space<vmem_shared>>)
        tpu.yield
      }) : () -> ()
    }
    %scan3A_46 = arith.constant 6 : i32
    "tpu.region"() ({
      %run_scoped3A_69 = tpu.sem_alloc : memref<!tpu.dma_semaphore, #tpu.memory_space<semaphore_mem>>
      %dma_start3A_70 = arith.constant 0 : i32
      %dma_start3A_71 = arith.constant 0 : i32
      %dma_start3A_72 = tpu.memref_slice %arg9[%dma_start3A_70, %dma_start3A_71] : memref<13x1024xi32, #tpu.memory_space<vmem>> -> memref<7x1024xi32, #tpu.memory_space<vmem>>
      %dma_start3A_73 = arith.constant 0 : i32
      %dma_start3A_74 = arith.constant 0 : i32
      %dma_start3A_75 = tpu.memref_slice %arg6[%add3A, %dma_start3A_73, %dma_start3A_74] : memref<32x7x1024xi32, #tpu.memory_space<hbm>> -> memref<1x7x1024xi32, #tpu.memory_space<hbm>>
      %dma_start3A_76 = tpu.memref_squeeze %dma_start3A_75 : memref<1x7x1024xi32, #tpu.memory_space<hbm>> -> memref<7x1024xi32, #tpu.memory_space<hbm>>
      %dma_start3A_77 = arith.constant 0 : i32
      %dma_start3A_78 = arith.constant 0 : i32
      %dma_start3A_79 = tpu.memref_slice %arg9[%dma_start3A_77, %dma_start3A_78] : memref<13x1024xi32, #tpu.memory_space<vmem>> -> memref<7x1024xi32, #tpu.memory_space<vmem>>
      %dma_start3A_80 = arith.constant 0 : i32
      %dma_start3A_81 = arith.constant 0 : i32
      %dma_start3A_82 = tpu.memref_slice %arg6[%add3A, %dma_start3A_80, %dma_start3A_81] : memref<32x7x1024xi32, #tpu.memory_space<hbm>> -> memref<1x7x1024xi32, #tpu.memory_space<hbm>>
      %dma_start3A_83 = tpu.memref_squeeze %dma_start3A_82 : memref<1x7x1024xi32, #tpu.memory_space<hbm>> -> memref<7x1024xi32, #tpu.memory_space<hbm>>
      tpu.enqueue_dma source(%dma_start3A_83 : memref<7x1024xi32, #tpu.memory_space<hbm>>) target(%dma_start3A_79 : memref<7x1024xi32, #tpu.memory_space<vmem>>) target_semaphore(%run_scoped3A_69 : memref<!tpu.dma_semaphore, #tpu.memory_space<semaphore_mem>>)
      %dma_wait3A_84 = arith.constant 0 : i32
      %dma_wait3A_85 = arith.constant 0 : i32
      %dma_wait3A_86 = tpu.memref_slice %arg9[%dma_wait3A_84, %dma_wait3A_85] : memref<13x1024xi32, #tpu.memory_space<vmem>> -> memref<7x1024xi32, #tpu.memory_space<vmem>>
      %dma_wait3A_87 = arith.constant 0 : i32
      %dma_wait3A_88 = arith.constant 0 : i32
      %dma_wait3A_89 = tpu.memref_slice %arg6[%add3A, %dma_wait3A_87, %dma_wait3A_88] : memref<32x7x1024xi32, #tpu.memory_space<hbm>> -> memref<1x7x1024xi32, #tpu.memory_space<hbm>>
      %dma_wait3A_90 = tpu.memref_squeeze %dma_wait3A_89 : memref<1x7x1024xi32, #tpu.memory_space<hbm>> -> memref<7x1024xi32, #tpu.memory_space<hbm>>
      %dma_wait3A_91 = arith.constant 0 : i32
      %dma_wait3A_92 = arith.constant 0 : i32
      %dma_wait3A_93 = tpu.memref_slice %arg9[%dma_wait3A_91, %dma_wait3A_92] : memref<13x1024xi32, #tpu.memory_space<vmem>> -> memref<7x1024xi32, #tpu.memory_space<vmem>>
      %dma_wait3A_94 = arith.constant 0 : i32
      %dma_wait3A_95 = arith.constant 0 : i32
      %dma_wait3A_96 = tpu.memref_slice %arg6[%add3A, %dma_wait3A_94, %dma_wait3A_95] : memref<32x7x1024xi32, #tpu.memory_space<hbm>> -> memref<1x7x1024xi32, #tpu.memory_space<hbm>>
      %dma_wait3A_97 = tpu.memref_squeeze %dma_wait3A_96 : memref<1x7x1024xi32, #tpu.memory_space<hbm>> -> memref<7x1024xi32, #tpu.memory_space<hbm>>
      tpu.wait_dma2 semaphore(%run_scoped3A_69 : memref<!tpu.dma_semaphore, #tpu.memory_space<semaphore_mem>>) src(%dma_wait3A_97 : memref<7x1024xi32, #tpu.memory_space<hbm>>) dst(%dma_wait3A_93 : memref<7x1024xi32, #tpu.memory_space<vmem>>)
      tpu.yield
    }) : () -> ()
    "tpu.region"() ({
      %run_scoped3A_69 = tpu.sem_alloc : memref<!tpu.dma_semaphore, #tpu.memory_space<semaphore_mem>>
      %dma_start3A_70 = arith.constant 0 : i32
      %dma_start3A_71 = arith.constant 0 : i32
      %dma_start3A_72 = tpu.memref_slice %arg10[%dma_start3A_70, %dma_start3A_71] : memref<13x1024xi32, #tpu.memory_space<vmem>> -> memref<7x1024xi32, #tpu.memory_space<vmem>>
      %dma_start3A_73 = arith.constant 0 : i32
      %dma_start3A_74 = arith.constant 0 : i32
      %dma_start3A_75 = tpu.memref_slice %arg7[%add3A, %dma_start3A_73, %dma_start3A_74] : memref<32x7x1024xi32, #tpu.memory_space<hbm>> -> memref<1x7x1024xi32, #tpu.memory_space<hbm>>
      %dma_start3A_76 = tpu.memref_squeeze %dma_start3A_75 : memref<1x7x1024xi32, #tpu.memory_space<hbm>> -> memref<7x1024xi32, #tpu.memory_space<hbm>>
      %dma_start3A_77 = arith.constant 0 : i32
      %dma_start3A_78 = arith.constant 0 : i32
      %dma_start3A_79 = tpu.memref_slice %arg10[%dma_start3A_77, %dma_start3A_78] : memref<13x1024xi32, #tpu.memory_space<vmem>> -> memref<7x1024xi32, #tpu.memory_space<vmem>>
      %dma_start3A_80 = arith.constant 0 : i32
      %dma_start3A_81 = arith.constant 0 : i32
      %dma_start3A_82 = tpu.memref_slice %arg7[%add3A, %dma_start3A_80, %dma_start3A_81] : memref<32x7x1024xi32, #tpu.memory_space<hbm>> -> memref<1x7x1024xi32, #tpu.memory_space<hbm>>
      %dma_start3A_83 = tpu.memref_squeeze %dma_start3A_82 : memref<1x7x1024xi32, #tpu.memory_space<hbm>> -> memref<7x1024xi32, #tpu.memory_space<hbm>>
      tpu.enqueue_dma source(%dma_start3A_83 : memref<7x1024xi32, #tpu.memory_space<hbm>>) target(%dma_start3A_79 : memref<7x1024xi32, #tpu.memory_space<vmem>>) target_semaphore(%run_scoped3A_69 : memref<!tpu.dma_semaphore, #tpu.memory_space<semaphore_mem>>)
      %dma_wait3A_84 = arith.constant 0 : i32
      %dma_wait3A_85 = arith.constant 0 : i32
      %dma_wait3A_86 = tpu.memref_slice %arg10[%dma_wait3A_84, %dma_wait3A_85] : memref<13x1024xi32, #tpu.memory_space<vmem>> -> memref<7x1024xi32, #tpu.memory_space<vmem>>
      %dma_wait3A_87 = arith.constant 0 : i32
      %dma_wait3A_88 = arith.constant 0 : i32
      %dma_wait3A_89 = tpu.memref_slice %arg7[%add3A, %dma_wait3A_87, %dma_wait3A_88] : memref<32x7x1024xi32, #tpu.memory_space<hbm>> -> memref<1x7x1024xi32, #tpu.memory_space<hbm>>
      %dma_wait3A_90 = tpu.memref_squeeze %dma_wait3A_89 : memref<1x7x1024xi32, #tpu.memory_space<hbm>> -> memref<7x1024xi32, #tpu.memory_space<hbm>>
      %dma_wait3A_91 = arith.constant 0 : i32
      %dma_wait3A_92 = arith.constant 0 : i32
      %dma_wait3A_93 = tpu.memref_slice %arg10[%dma_wait3A_91, %dma_wait3A_92] : memref<13x1024xi32, #tpu.memory_space<vmem>> -> memref<7x1024xi32, #tpu.memory_space<vmem>>
      %dma_wait3A_94 = arith.constant 0 : i32
      %dma_wait3A_95 = arith.constant 0 : i32
      %dma_wait3A_96 = tpu.memref_slice %arg7[%add3A, %dma_wait3A_94, %dma_wait3A_95] : memref<32x7x1024xi32, #tpu.memory_space<hbm>> -> memref<1x7x1024xi32, #tpu.memory_space<hbm>>
      %dma_wait3A_97 = tpu.memref_squeeze %dma_wait3A_96 : memref<1x7x1024xi32, #tpu.memory_space<hbm>> -> memref<7x1024xi32, #tpu.memory_space<hbm>>
      tpu.wait_dma2 semaphore(%run_scoped3A_69 : memref<!tpu.dma_semaphore, #tpu.memory_space<semaphore_mem>>) src(%dma_wait3A_97 : memref<7x1024xi32, #tpu.memory_space<hbm>>) dst(%dma_wait3A_93 : memref<7x1024xi32, #tpu.memory_space<vmem>>)
      tpu.yield
    }) : () -> ()
    %dma_start3A_47 = arith.constant 0 : i32
    %dma_start3A_48 = arith.constant 0 : i32
    %dma_start3A_49 = tpu.memref_slice %arg9[%dma_start3A_47, %dma_start3A_48] : memref<13x1024xi32, #tpu.memory_space<vmem>> -> memref<1x1024xi32, #tpu.memory_space<vmem>>
    %dma_start3A_50 = tpu.memref_squeeze %dma_start3A_49 : memref<1x1024xi32, #tpu.memory_space<vmem>> -> memref<1024xi32, #tpu.memory_space<vmem>>
    %dma_start3A_51 = arith.constant 0 : i32
    %dma_start3A_52 = arith.constant 0 : i32
    %dma_start3A_53 = tpu.memref_slice %arg3[%dma_start3A_51, %dma_start3A_52] : memref<10000x16xf32, #tpu.memory_space<hbm>> -> memref<10000x16xf32, #tpu.memory_space<hbm>>
    tpu.enqueue_indirect_dma source(%dma_start3A_53 : memref<10000x16xf32, #tpu.memory_space<hbm>>) target(%arg11 : memref<1024x16xf32, #tpu.memory_space<vmem>>) offsets(%dma_start3A_50 : memref<1024xi32, #tpu.memory_space<vmem>>) semaphore(%arg14 : memref<!tpu.dma_semaphore, #tpu.memory_space<semaphore_mem>>)
    %scan3A_54 = arith.constant 0 : i32
    %scan3A_55 = arith.constant 0 : i32
    %scan3A_56 = arith.constant 3 : i32
    %scan3A_57 = arith.addi %scan3A_55, %scan3A_56 : i32
    %scan3A_58 = arith.constant 1 : i32
    scf.for %scan3A_69 = %scan3A_55 to %scan3A_57 step %scan3A_58  : i32 {
      %mul3A_70 = arith.constant 2 : i32
      %mul3A_71 = arith.muli %mul3A_70, %scan3A_69 : i32
      %add3A_72 = arith.constant 1 : i32
      %add3A_73 = arith.addi %mul3A_71, %add3A_72 : i32
      %dma_start3A_74 = arith.constant 0 : i32
      %dma_start3A_75 = tpu.memref_slice %arg9[%add3A_73, %dma_start3A_74] : memref<13x1024xi32, #tpu.memory_space<vmem>> -> memref<1x1024xi32, #tpu.memory_space<vmem>>
      %dma_start3A_76 = tpu.memref_squeeze %dma_start3A_75 : memref<1x1024xi32, #tpu.memory_space<vmem>> -> memref<1024xi32, #tpu.memory_space<vmem>>
      %dma_start3A_77 = arith.constant 0 : i32
      %dma_start3A_78 = arith.constant 0 : i32
      %dma_start3A_79 = tpu.memref_slice %arg3[%dma_start3A_77, %dma_start3A_78] : memref<10000x16xf32, #tpu.memory_space<hbm>> -> memref<10000x16xf32, #tpu.memory_space<hbm>>
      tpu.enqueue_indirect_dma source(%dma_start3A_79 : memref<10000x16xf32, #tpu.memory_space<hbm>>) target(%arg12 : memref<1024x16xf32, #tpu.memory_space<vmem>>) offsets(%dma_start3A_76 : memref<1024xi32, #tpu.memory_space<vmem>>) semaphore(%arg15 : memref<!tpu.dma_semaphore, #tpu.memory_space<semaphore_mem>>)
      %dma_wait3A_80 = arith.constant 0 : i32
      %dma_wait3A_81 = tpu.memref_slice %arg9[%mul3A_71, %dma_wait3A_80] : memref<13x1024xi32, #tpu.memory_space<vmem>> -> memref<1x1024xi32, #tpu.memory_space<vmem>>
      %dma_wait3A_82 = tpu.memref_squeeze %dma_wait3A_81 : memref<1x1024xi32, #tpu.memory_space<vmem>> -> memref<1024xi32, #tpu.memory_space<vmem>>
      %dma_wait3A_83 = arith.constant 0 : i32
      %dma_wait3A_84 = arith.constant 0 : i32
      %dma_wait3A_85 = tpu.memref_slice %arg3[%dma_wait3A_83, %dma_wait3A_84] : memref<10000x16xf32, #tpu.memory_space<hbm>> -> memref<10000x16xf32, #tpu.memory_space<hbm>>
      tpu.wait_indirect_dma semaphore(%arg14 : memref<!tpu.dma_semaphore, #tpu.memory_space<semaphore_mem>>) src(%dma_wait3A_85 : memref<10000x16xf32, #tpu.memory_space<hbm>>) dst(%arg11 : memref<1024x16xf32, #tpu.memory_space<vmem>>)
      "tpu.region"() ({
        %run_scoped3A_100 = tpu.sem_alloc : memref<!tpu.dma_semaphore, #tpu.memory_space<semaphore_mem>>
        %dma_start3A_101 = arith.constant 0 : i32
        %dma_start3A_102 = tpu.memref_slice %arg10[%mul3A_71, %dma_start3A_101] : memref<13x1024xi32, #tpu.memory_space<vmem>> -> memref<1x1024xi32, #tpu.memory_space<vmem>>
        %dma_start3A_103 = tpu.memref_squeeze %dma_start3A_102 : memref<1x1024xi32, #tpu.memory_space<vmem>> -> memref<1024xi32, #tpu.memory_space<vmem>>
        %dma_start3A_104 = arith.constant 0 : i32
        %dma_start3A_105 = arith.constant 0 : i32
        %dma_start3A_106 = tpu.memref_slice %arg13[%dma_start3A_104, %dma_start3A_105] : memref<51200x16xf32, #tpu.memory_space<vmem_shared>> -> memref<51200x16xf32, #tpu.memory_space<vmem_shared>>
        tpu.enqueue_indirect_dma source(%arg11 : memref<1024x16xf32, #tpu.memory_space<vmem>>) target(%dma_start3A_106 : memref<51200x16xf32, #tpu.memory_space<vmem_shared>>) offsets(%dma_start3A_103 : memref<1024xi32, #tpu.memory_space<vmem>>) semaphore(%run_scoped3A_100 : memref<!tpu.dma_semaphore, #tpu.memory_space<semaphore_mem>>) {add = true}
        %dma_wait3A_107 = arith.constant 0 : i32
        %dma_wait3A_108 = tpu.memref_slice %arg10[%mul3A_71, %dma_wait3A_107] : memref<13x1024xi32, #tpu.memory_space<vmem>> -> memref<1x1024xi32, #tpu.memory_space<vmem>>
        %dma_wait3A_109 = tpu.memref_squeeze %dma_wait3A_108 : memref<1x1024xi32, #tpu.memory_space<vmem>> -> memref<1024xi32, #tpu.memory_space<vmem>>
        %dma_wait3A_110 = arith.constant 0 : i32
        %dma_wait3A_111 = arith.constant 0 : i32
        %dma_wait3A_112 = tpu.memref_slice %arg13[%dma_wait3A_110, %dma_wait3A_111] : memref<51200x16xf32, #tpu.memory_space<vmem_shared>> -> memref<51200x16xf32, #tpu.memory_space<vmem_shared>>
        tpu.wait_indirect_dma semaphore(%run_scoped3A_100 : memref<!tpu.dma_semaphore, #tpu.memory_space<semaphore_mem>>) src(%arg11 : memref<1024x16xf32, #tpu.memory_space<vmem>>) dst(%dma_wait3A_112 : memref<51200x16xf32, #tpu.memory_space<vmem_shared>>)
        tpu.yield
      }) : () -> ()
      %add3A_86 = arith.constant 2 : i32
      %add3A_87 = arith.addi %mul3A_71, %add3A_86 : i32
      %lt3A = arith.constant 7 : i32
      %lt3A_88 = arith.cmpi slt, %add3A_87, %lt3A : i32
      %convert_element_type3A = arith.extui %lt3A_88 : i1 to i32
      %cond3A = arith.constant 0 : i32
      %cond3A_89 = arith.cmpi ne, %convert_element_type3A, %cond3A : i32
      scf.if %cond3A_89 {
        %add3A_100 = arith.constant 2 : i32
        %add3A_101 = arith.addi %mul3A_71, %add3A_100 : i32
        %dma_start3A_102 = arith.constant 0 : i32
        %dma_start3A_103 = tpu.memref_slice %arg9[%add3A_101, %dma_start3A_102] : memref<13x1024xi32, #tpu.memory_space<vmem>> -> memref<1x1024xi32, #tpu.memory_space<vmem>>
        %dma_start3A_104 = tpu.memref_squeeze %dma_start3A_103 : memref<1x1024xi32, #tpu.memory_space<vmem>> -> memref<1024xi32, #tpu.memory_space<vmem>>
        %dma_start3A_105 = arith.constant 0 : i32
        %dma_start3A_106 = arith.constant 0 : i32
        %dma_start3A_107 = tpu.memref_slice %arg3[%dma_start3A_105, %dma_start3A_106] : memref<10000x16xf32, #tpu.memory_space<hbm>> -> memref<10000x16xf32, #tpu.memory_space<hbm>>
        tpu.enqueue_indirect_dma source(%dma_start3A_107 : memref<10000x16xf32, #tpu.memory_space<hbm>>) target(%arg11 : memref<1024x16xf32, #tpu.memory_space<vmem>>) offsets(%dma_start3A_104 : memref<1024xi32, #tpu.memory_space<vmem>>) semaphore(%arg14 : memref<!tpu.dma_semaphore, #tpu.memory_space<semaphore_mem>>)
      } else {
      }
      %add3A_90 = arith.constant 1 : i32
      %add3A_91 = arith.addi %mul3A_71, %add3A_90 : i32
      %dma_wait3A_92 = arith.constant 0 : i32
      %dma_wait3A_93 = tpu.memref_slice %arg9[%add3A_91, %dma_wait3A_92] : memref<13x1024xi32, #tpu.memory_space<vmem>> -> memref<1x1024xi32, #tpu.memory_space<vmem>>
      %dma_wait3A_94 = tpu.memref_squeeze %dma_wait3A_93 : memref<1x1024xi32, #tpu.memory_space<vmem>> -> memref<1024xi32, #tpu.memory_space<vmem>>
      %dma_wait3A_95 = arith.constant 0 : i32
      %dma_wait3A_96 = arith.constant 0 : i32
      %dma_wait3A_97 = tpu.memref_slice %arg3[%dma_wait3A_95, %dma_wait3A_96] : memref<10000x16xf32, #tpu.memory_space<hbm>> -> memref<10000x16xf32, #tpu.memory_space<hbm>>
      tpu.wait_indirect_dma semaphore(%arg15 : memref<!tpu.dma_semaphore, #tpu.memory_space<semaphore_mem>>) src(%dma_wait3A_97 : memref<10000x16xf32, #tpu.memory_space<hbm>>) dst(%arg12 : memref<1024x16xf32, #tpu.memory_space<vmem>>)
      %add3A_98 = arith.constant 1 : i32
      %add3A_99 = arith.addi %mul3A_71, %add3A_98 : i32
      "tpu.region"() ({
        %run_scoped3A_100 = tpu.sem_alloc : memref<!tpu.dma_semaphore, #tpu.memory_space<semaphore_mem>>
        %dma_start3A_101 = arith.constant 0 : i32
        %dma_start3A_102 = tpu.memref_slice %arg10[%add3A_99, %dma_start3A_101] : memref<13x1024xi32, #tpu.memory_space<vmem>> -> memref<1x1024xi32, #tpu.memory_space<vmem>>
        %dma_start3A_103 = tpu.memref_squeeze %dma_start3A_102 : memref<1x1024xi32, #tpu.memory_space<vmem>> -> memref<1024xi32, #tpu.memory_space<vmem>>
        %dma_start3A_104 = arith.constant 0 : i32
        %dma_start3A_105 = arith.constant 0 : i32
        %dma_start3A_106 = tpu.memref_slice %arg13[%dma_start3A_104, %dma_start3A_105] : memref<51200x16xf32, #tpu.memory_space<vmem_shared>> -> memref<51200x16xf32, #tpu.memory_space<vmem_shared>>
        tpu.enqueue_indirect_dma source(%arg12 : memref<1024x16xf32, #tpu.memory_space<vmem>>) target(%dma_start3A_106 : memref<51200x16xf32, #tpu.memory_space<vmem_shared>>) offsets(%dma_start3A_103 : memref<1024xi32, #tpu.memory_space<vmem>>) semaphore(%run_scoped3A_100 : memref<!tpu.dma_semaphore, #tpu.memory_space<semaphore_mem>>) {add = true}
        %dma_wait3A_107 = arith.constant 0 : i32
        %dma_wait3A_108 = tpu.memref_slice %arg10[%add3A_99, %dma_wait3A_107] : memref<13x1024xi32, #tpu.memory_space<vmem>> -> memref<1x1024xi32, #tpu.memory_space<vmem>>
        %dma_wait3A_109 = tpu.memref_squeeze %dma_wait3A_108 : memref<1x1024xi32, #tpu.memory_space<vmem>> -> memref<1024xi32, #tpu.memory_space<vmem>>
        %dma_wait3A_110 = arith.constant 0 : i32
        %dma_wait3A_111 = arith.constant 0 : i32
        %dma_wait3A_112 = tpu.memref_slice %arg13[%dma_wait3A_110, %dma_wait3A_111] : memref<51200x16xf32, #tpu.memory_space<vmem_shared>> -> memref<51200x16xf32, #tpu.memory_space<vmem_shared>>
        tpu.wait_indirect_dma semaphore(%run_scoped3A_100 : memref<!tpu.dma_semaphore, #tpu.memory_space<semaphore_mem>>) src(%arg12 : memref<1024x16xf32, #tpu.memory_space<vmem>>) dst(%dma_wait3A_112 : memref<51200x16xf32, #tpu.memory_space<vmem_shared>>)
        tpu.yield
      }) : () -> ()
    }
    %scan3A_59 = arith.constant 3 : i32
    %dma_wait3A_60 = arith.constant 6 : i32
    %dma_wait3A_61 = arith.constant 0 : i32
    %dma_wait3A_62 = tpu.memref_slice %arg9[%dma_wait3A_60, %dma_wait3A_61] : memref<13x1024xi32, #tpu.memory_space<vmem>> -> memref<1x1024xi32, #tpu.memory_space<vmem>>
    %dma_wait3A_63 = tpu.memref_squeeze %dma_wait3A_62 : memref<1x1024xi32, #tpu.memory_space<vmem>> -> memref<1024xi32, #tpu.memory_space<vmem>>
    %dma_wait3A_64 = arith.constant 0 : i32
    %dma_wait3A_65 = arith.constant 0 : i32
    %dma_wait3A_66 = tpu.memref_slice %arg3[%dma_wait3A_64, %dma_wait3A_65] : memref<10000x16xf32, #tpu.memory_space<hbm>> -> memref<10000x16xf32, #tpu.memory_space<hbm>>
    tpu.wait_indirect_dma semaphore(%arg14 : memref<!tpu.dma_semaphore, #tpu.memory_space<semaphore_mem>>) src(%dma_wait3A_66 : memref<10000x16xf32, #tpu.memory_space<hbm>>) dst(%arg11 : memref<1024x16xf32, #tpu.memory_space<vmem>>)
    %run_scoped3A_67 = arith.constant 6 : i32
    "tpu.region"() ({
      %run_scoped3A_69 = tpu.sem_alloc : memref<!tpu.dma_semaphore, #tpu.memory_space<semaphore_mem>>
      %dma_start3A_70 = arith.constant 0 : i32
      %dma_start3A_71 = tpu.memref_slice %arg10[%run_scoped3A_67, %dma_start3A_70] : memref<13x1024xi32, #tpu.memory_space<vmem>> -> memref<1x1024xi32, #tpu.memory_space<vmem>>
      %dma_start3A_72 = tpu.memref_squeeze %dma_start3A_71 : memref<1x1024xi32, #tpu.memory_space<vmem>> -> memref<1024xi32, #tpu.memory_space<vmem>>
      %dma_start3A_73 = arith.constant 0 : i32
      %dma_start3A_74 = arith.constant 0 : i32
      %dma_start3A_75 = tpu.memref_slice %arg13[%dma_start3A_73, %dma_start3A_74] : memref<51200x16xf32, #tpu.memory_space<vmem_shared>> -> memref<51200x16xf32, #tpu.memory_space<vmem_shared>>
      tpu.enqueue_indirect_dma source(%arg11 : memref<1024x16xf32, #tpu.memory_space<vmem>>) target(%dma_start3A_75 : memref<51200x16xf32, #tpu.memory_space<vmem_shared>>) offsets(%dma_start3A_72 : memref<1024xi32, #tpu.memory_space<vmem>>) semaphore(%run_scoped3A_69 : memref<!tpu.dma_semaphore, #tpu.memory_space<semaphore_mem>>) {add = true}
      %dma_wait3A_76 = arith.constant 0 : i32
      %dma_wait3A_77 = tpu.memref_slice %arg10[%run_scoped3A_67, %dma_wait3A_76] : memref<13x1024xi32, #tpu.memory_space<vmem>> -> memref<1x1024xi32, #tpu.memory_space<vmem>>
      %dma_wait3A_78 = tpu.memref_squeeze %dma_wait3A_77 : memref<1x1024xi32, #tpu.memory_space<vmem>> -> memref<1024xi32, #tpu.memory_space<vmem>>
      %dma_wait3A_79 = arith.constant 0 : i32
      %dma_wait3A_80 = arith.constant 0 : i32
      %dma_wait3A_81 = tpu.memref_slice %arg13[%dma_wait3A_79, %dma_wait3A_80] : memref<51200x16xf32, #tpu.memory_space<vmem_shared>> -> memref<51200x16xf32, #tpu.memory_space<vmem_shared>>
      tpu.wait_indirect_dma semaphore(%run_scoped3A_69 : memref<!tpu.dma_semaphore, #tpu.memory_space<semaphore_mem>>) src(%arg11 : memref<1024x16xf32, #tpu.memory_space<vmem>>) dst(%dma_wait3A_81 : memref<51200x16xf32, #tpu.memory_space<vmem_shared>>)
      tpu.yield
    }) : () -> ()
    %barrier3A_68 = arith.constant 0 : index
    tpu.barrier barrier_id(%barrier3A_68)
    "tpu.region"() ({
      %run_scoped3A_69 = tpu.sem_alloc : memref<!tpu.dma_semaphore, #tpu.memory_space<semaphore_mem>>
      %dma_start3A_70 = arith.constant 0 : i32
      %dma_start3A_71 = tpu.memref_slice %arg8[%arg0, %mul3A_2, %dma_start3A_70] : memref<2x51200x16xf32, #tpu.memory_space<hbm>> -> memref<1x3200x16xf32, #tpu.memory_space<hbm>>
      %dma_start3A_72 = tpu.memref_squeeze %dma_start3A_71 : memref<1x3200x16xf32, #tpu.memory_space<hbm>> -> memref<3200x16xf32, #tpu.memory_space<hbm>>
      %dma_start3A_73 = arith.constant 0 : i32
      %dma_start3A_74 = tpu.memref_slice %arg13[%mul3A_2, %dma_start3A_73] : memref<51200x16xf32, #tpu.memory_space<vmem_shared>> -> memref<3200x16xf32, #tpu.memory_space<vmem_shared>>
      tpu.enqueue_dma source(%dma_start3A_74 : memref<3200x16xf32, #tpu.memory_space<vmem_shared>>) target(%dma_start3A_72 : memref<3200x16xf32, #tpu.memory_space<hbm>>) target_semaphore(%run_scoped3A_69 : memref<!tpu.dma_semaphore, #tpu.memory_space<semaphore_mem>>)
      %dma_wait3A_75 = arith.constant 0 : i32
      %dma_wait3A_76 = tpu.memref_slice %arg8[%arg0, %mul3A_2, %dma_wait3A_75] : memref<2x51200x16xf32, #tpu.memory_space<hbm>> -> memref<1x3200x16xf32, #tpu.memory_space<hbm>>
      %dma_wait3A_77 = tpu.memref_squeeze %dma_wait3A_76 : memref<1x3200x16xf32, #tpu.memory_space<hbm>> -> memref<3200x16xf32, #tpu.memory_space<hbm>>
      %dma_wait3A_78 = arith.constant 0 : i32
      %dma_wait3A_79 = tpu.memref_slice %arg13[%mul3A_2, %dma_wait3A_78] : memref<51200x16xf32, #tpu.memory_space<vmem_shared>> -> memref<3200x16xf32, #tpu.memory_space<vmem_shared>>
      tpu.wait_dma2 semaphore(%run_scoped3A_69 : memref<!tpu.dma_semaphore, #tpu.memory_space<semaphore_mem>>) src(%dma_wait3A_79 : memref<3200x16xf32, #tpu.memory_space<vmem_shared>>) dst(%dma_wait3A_77 : memref<3200x16xf32, #tpu.memory_space<hbm>>)
      tpu.yield
    }) : () -> ()
    return
  }
}

module attributes {stable_mosaic.version = 14 : i64} {
  func.func @_prep_body(%arg0: memref<64x768xf32, #tpu.memory_space<vmem>>, %arg1: memref<1x64xf32, #tpu.memory_space<vmem>>, %arg2: memref<64x8xf32, #tpu.memory_space<vmem>>, %arg3: memref<1x64xf32, #tpu.memory_space<vmem>>, %arg4: memref<64x1xf32, #tpu.memory_space<vmem>>, %arg5: memref<1x64xf32, #tpu.memory_space<vmem>>, %arg6: memref<64x64xf32, #tpu.memory_space<vmem>>, %arg7: memref<64x64xf32, #tpu.memory_space<vmem>>, %arg8: memref<64x64xf32, #tpu.memory_space<vmem>>, %arg9: memref<64x64xf32, #tpu.memory_space<vmem>>, %arg10: memref<1x64xf32, #tpu.memory_space<vmem>>, %arg11: memref<1x64xf32, #tpu.memory_space<vmem>>, %arg12: memref<64x768xf32, #tpu.memory_space<vmem>>, %arg13: memref<64x16xf32, #tpu.memory_space<vmem>>, %arg14: memref<1x64xf32, #tpu.memory_space<vmem>>) attributes {dimension_semantics = [], scalar_prefetch = 0 : i64, scratch_operands = 0 : i64, tpu.core_type = #tpu.core_type<tc>} {
    %get3A = arith.constant 0 : index
    %get3A_0 = arith.constant 0 : index
    %get3A_1 = vector.load %arg8[%get3A, %get3A_0] : memref<64x64xf32, #tpu.memory_space<vmem>>, vector<64x64xf32>
    %get3A_2 = arith.constant 0 : index
    %get3A_3 = arith.constant 0 : index
    %get3A_4 = vector.load %arg9[%get3A_2, %get3A_3] : memref<64x64xf32, #tpu.memory_space<vmem>>, vector<64x64xf32>
    %add3A = arith.addf %get3A_1, %get3A_4 : vector<64x64xf32>
    %get3A_5 = arith.constant 0 : index
    %get3A_6 = arith.constant 0 : index
    %get3A_7 = vector.load %arg0[%get3A_5, %get3A_6] : memref<64x768xf32, #tpu.memory_space<vmem>>, vector<64x768xf32>
    %dot_general3A = arith.constant dense<0.000000e+00> : vector<64x768xf32>
    %dot_general3A_8 = tpu.matmul %add3A, %get3A_7, %dot_general3A {dimension_numbers = #tpu.dot_dimension_numbers<[1], [0], [0], [1], [0, 0, 1, 1], [], []>, transpose_lhs_hint = false} : vector<64x64xf32>, vector<64x768xf32>, vector<64x768xf32> -> vector<64x768xf32>
    %swap3A = arith.constant 0 : index
    %swap3A_9 = arith.constant 0 : index
    %swap3A_10 = vector.load %arg12[%swap3A, %swap3A_9] : memref<64x768xf32, #tpu.memory_space<vmem>>, vector<64x768xf32>
    tpu.vector_store %arg12[%swap3A, %swap3A_9], %dot_general3A_8 {strides = array<i32>} : memref<64x768xf32, #tpu.memory_space<vmem>>, vector<64x768xf32>,
    %get3A_11 = arith.constant 0 : index
    %get3A_12 = arith.constant 0 : index
    %get3A_13 = vector.load %arg7[%get3A_11, %get3A_12] : memref<64x64xf32, #tpu.memory_space<vmem>>, vector<64x64xf32>
    %get3A_14 = arith.constant 0 : index
    %get3A_15 = arith.constant 0 : index
    %get3A_16 = vector.load %arg2[%get3A_14, %get3A_15] : memref<64x8xf32, #tpu.memory_space<vmem>>, vector<64x8xf32>
    %dot_general3A_17 = arith.constant dense<0.000000e+00> : vector<64x8xf32>
    %dot_general3A_18 = tpu.matmul %get3A_13, %get3A_16, %dot_general3A_17 {dimension_numbers = #tpu.dot_dimension_numbers<[1], [0], [0], [1], [0, 0, 1, 1], [], []>, transpose_lhs_hint = false} : vector<64x64xf32>, vector<64x8xf32>, vector<64x8xf32> -> vector<64x8xf32>
    %get3A_19 = arith.constant 0 : index
    %get3A_20 = arith.constant 0 : index
    %get3A_21 = vector.load %arg7[%get3A_19, %get3A_20] : memref<64x64xf32, #tpu.memory_space<vmem>>, vector<64x64xf32>
    %get3A_22 = arith.constant 0 : index
    %get3A_23 = arith.constant 0 : index
    %get3A_24 = vector.load %arg3[%get3A_22, %get3A_23] : memref<1x64xf32, #tpu.memory_space<vmem>>, vector<1x64xf32>
    %dot_general3A_25 = arith.constant dense<0.000000e+00> : vector<64x1xf32>
    %dot_general3A_26 = tpu.matmul %get3A_21, %get3A_24, %dot_general3A_25 {dimension_numbers = #tpu.dot_dimension_numbers<[1], [1], [0], [0], [0, 0, 1, 0], [], []>, transpose_lhs_hint = false} : vector<64x64xf32>, vector<1x64xf32>, vector<64x1xf32> -> vector<64x1xf32>
    %get3A_27 = arith.constant 0 : index
    %get3A_28 = arith.constant 0 : index
    %get3A_29 = vector.load %arg6[%get3A_27, %get3A_28] : memref<64x64xf32, #tpu.memory_space<vmem>>, vector<64x64xf32>
    %get3A_30 = arith.constant 0 : index
    %get3A_31 = arith.constant 0 : index
    %get3A_32 = vector.load %arg4[%get3A_30, %get3A_31] : memref<64x1xf32, #tpu.memory_space<vmem>>, vector<64x1xf32>
    %dot_general3A_33 = arith.constant dense<0.000000e+00> : vector<64x1xf32>
    %dot_general3A_34 = tpu.matmul %get3A_29, %get3A_32, %dot_general3A_33 {dimension_numbers = #tpu.dot_dimension_numbers<[1], [0], [0], [1], [0, 0, 1, 1], [], []>, transpose_lhs_hint = false} : vector<64x64xf32>, vector<64x1xf32>, vector<64x1xf32> -> vector<64x1xf32>
    %get3A_35 = arith.constant 0 : index
    %get3A_36 = arith.constant 0 : index
    %get3A_37 = vector.load %arg6[%get3A_35, %get3A_36] : memref<64x64xf32, #tpu.memory_space<vmem>>, vector<64x64xf32>
    %get3A_38 = arith.constant 0 : index
    %get3A_39 = arith.constant 0 : index
    %get3A_40 = vector.load %arg5[%get3A_38, %get3A_39] : memref<1x64xf32, #tpu.memory_space<vmem>>, vector<1x64xf32>
    %dot_general3A_41 = arith.constant dense<0.000000e+00> : vector<64x1xf32>
    %dot_general3A_42 = tpu.matmul %get3A_37, %get3A_40, %dot_general3A_41 {dimension_numbers = #tpu.dot_dimension_numbers<[1], [1], [0], [0], [0, 0, 1, 0], [], []>, transpose_lhs_hint = false} : vector<64x64xf32>, vector<1x64xf32>, vector<64x1xf32> -> vector<64x1xf32>
    %broadcast_in_dim3A = arith.constant 0.000000e+00 : f32
    %broadcast_in_dim3A_43 = vector.broadcast %broadcast_in_dim3A : f32 to vector<64x5xf32>
    %concatenate3A = tpu.concatenate %dot_general3A_18, %dot_general3A_26, %dot_general3A_34, %dot_general3A_42, %broadcast_in_dim3A_43 in 1 : vector<64x8xf32>, vector<64x1xf32>, vector<64x1xf32>, vector<64x1xf32>, vector<64x5xf32> -> vector<64x16xf32>
    %swap3A_44 = arith.constant 0 : index
    %swap3A_45 = arith.constant 0 : index
    %swap3A_46 = vector.load %arg13[%swap3A_44, %swap3A_45] : memref<64x16xf32, #tpu.memory_space<vmem>>, vector<64x16xf32>
    tpu.vector_store %arg13[%swap3A_44, %swap3A_45], %concatenate3A {strides = array<i32>} : memref<64x16xf32, #tpu.memory_space<vmem>>, vector<64x16xf32>,
    %get3A_47 = arith.constant 0 : index
    %get3A_48 = arith.constant 0 : index
    %get3A_49 = vector.load %arg10[%get3A_47, %get3A_48] : memref<1x64xf32, #tpu.memory_space<vmem>>, vector<1x64xf32>
    %get3A_50 = arith.constant 0 : index
    %get3A_51 = arith.constant 0 : index
    %get3A_52 = vector.load %arg11[%get3A_50, %get3A_51] : memref<1x64xf32, #tpu.memory_space<vmem>>, vector<1x64xf32>
    %add3A_53 = arith.addf %get3A_49, %get3A_52 : vector<1x64xf32>
    %get3A_54 = arith.constant 0 : index
    %get3A_55 = arith.constant 0 : index
    %get3A_56 = vector.load %arg1[%get3A_54, %get3A_55] : memref<1x64xf32, #tpu.memory_space<vmem>>, vector<1x64xf32>
    %dot_general3A_57 = arith.constant dense<0.000000e+00> : vector<1x64xf32>
    %dot_general3A_58 = tpu.matmul %get3A_56, %add3A, %dot_general3A_57 {dimension_numbers = #tpu.dot_dimension_numbers<[1], [1], [0], [0], [0, 0, 1, 0], [], []>, transpose_lhs_hint = false} : vector<1x64xf32>, vector<64x64xf32>, vector<1x64xf32> -> vector<1x64xf32>
    %add3A_59 = arith.addf %add3A_53, %dot_general3A_58 : vector<1x64xf32>
    %swap3A_60 = arith.constant 0 : index
    %swap3A_61 = arith.constant 0 : index
    %swap3A_62 = vector.load %arg14[%swap3A_60, %swap3A_61] : memref<1x64xf32, #tpu.memory_space<vmem>>, vector<1x64xf32>
    tpu.vector_store %arg14[%swap3A_60, %swap3A_61], %add3A_59 {strides = array<i32>} : memref<1x64xf32, #tpu.memory_space<vmem>>, vector<1x64xf32>,
    return
  }
}

module attributes {stable_mosaic.version = 14 : i64} {
  func.func @_main_body(%arg0: i32, %arg1: memref<2000x768xf32, #tpu.memory_space<vmem>>, %arg2: memref<2x2000x16xf32, #tpu.memory_space<vmem>>, %arg3: memref<64x768xf32, #tpu.memory_space<vmem>>, %arg4: memref<64x16xf32, #tpu.memory_space<vmem>>, %arg5: memref<1x64xf32, #tpu.memory_space<vmem>>, %arg6: memref<8x64xf32, #tpu.memory_space<vmem>>, %arg7: memref<8x384xf32, #tpu.memory_space<vmem>>, %arg8: memref<2000x8xf32, #tpu.memory_space<vmem>>) attributes {dimension_semantics = [#tpu.dimension_semantics<arbitrary>], iteration_bounds = array<i64: 25>, scalar_prefetch = 0 : i64, scratch_operands = 0 : i64, tpu.core_type = #tpu.core_type<tc>, window_params = [{transform_indices = @transform_0, window_bounds = array<i64: 2000, 768>}, {transform_indices = @transform_1, window_bounds = array<i64: 2, 2000, 16>}, {pipeline_mode = #tpu.pipeline_mode<synchronous>, transform_indices = @transform_2, window_bounds = array<i64: 64, 768>}, {pipeline_mode = #tpu.pipeline_mode<synchronous>, transform_indices = @transform_3, window_bounds = array<i64: 64, 16>}, {pipeline_mode = #tpu.pipeline_mode<synchronous>, transform_indices = @transform_4, window_bounds = array<i64: 1, 64>}, {pipeline_mode = #tpu.pipeline_mode<synchronous>, transform_indices = @transform_5, window_bounds = array<i64: 8, 64>}, {pipeline_mode = #tpu.pipeline_mode<synchronous>, transform_indices = @transform_6, window_bounds = array<i64: 8, 384>}, {transform_indices = @transform_7, window_bounds = array<i64: 2000, 8>}]} {
    %get3A = arith.constant 0 : index
    %get3A_0 = arith.constant 0 : index
    %get3A_1 = vector.load %arg1[%get3A, %get3A_0] : memref<2000x768xf32, #tpu.memory_space<vmem>>, vector<2000x768xf32>
    %get3A_2 = arith.constant 0 : index
    %get3A_3 = arith.constant 0 : index
    %get3A_4 = vector.load %arg3[%get3A_2, %get3A_3] : memref<64x768xf32, #tpu.memory_space<vmem>>, vector<64x768xf32>
    %dot_general3A = arith.constant dense<0.000000e+00> : vector<2000x64xf32>
    %dot_general3A_5 = tpu.matmul %get3A_1, %get3A_4, %dot_general3A {dimension_numbers = #tpu.dot_dimension_numbers<[1], [1], [0], [0], [0, 0, 1, 0], [], []>, transpose_lhs_hint = false} : vector<2000x768xf32>, vector<64x768xf32>, vector<2000x64xf32> -> vector<2000x64xf32>
    %get3A_6 = arith.constant 0 : index
    %get3A_7 = arith.constant 0 : index
    %get3A_8 = arith.constant 0 : index
    %get3A_9 = vector.load %arg2[%get3A_6, %get3A_7, %get3A_8] : memref<2x2000x16xf32, #tpu.memory_space<vmem>>, vector<1x2000x16xf32>
    %get3A_10 = vector.shape_cast %get3A_9 : vector<1x2000x16xf32> to vector<2000x16xf32>
    %get3A_11 = arith.constant 1 : index
    %get3A_12 = arith.constant 0 : index
    %get3A_13 = arith.constant 0 : index
    %get3A_14 = vector.load %arg2[%get3A_11, %get3A_12, %get3A_13] : memref<2x2000x16xf32, #tpu.memory_space<vmem>>, vector<1x2000x16xf32>
    %get3A_15 = vector.shape_cast %get3A_14 : vector<1x2000x16xf32> to vector<2000x16xf32>
    %add3A = arith.addf %get3A_10, %get3A_15 : vector<2000x16xf32>
    %get3A_16 = arith.constant 0 : index
    %get3A_17 = arith.constant 0 : index
    %get3A_18 = vector.load %arg4[%get3A_16, %get3A_17] : memref<64x16xf32, #tpu.memory_space<vmem>>, vector<64x16xf32>
    %dot_general3A_19 = arith.constant dense<0.000000e+00> : vector<2000x64xf32>
    %dot_general3A_20 = tpu.matmul %add3A, %get3A_18, %dot_general3A_19 {dimension_numbers = #tpu.dot_dimension_numbers<[1], [1], [0], [0], [0, 0, 1, 0], [], []>, transpose_lhs_hint = false} : vector<2000x16xf32>, vector<64x16xf32>, vector<2000x64xf32> -> vector<2000x64xf32>
    %add3A_21 = arith.addf %dot_general3A_5, %dot_general3A_20 : vector<2000x64xf32>
    %get3A_22 = arith.constant 0 : index
    %get3A_23 = arith.constant 0 : index
    %get3A_24 = vector.load %arg5[%get3A_22, %get3A_23] : memref<1x64xf32, #tpu.memory_space<vmem>>, vector<1x64xf32>
    %add3A_25 = vector.broadcast %get3A_24 : vector<1x64xf32> to vector<2000x64xf32>
    %add3A_26 = arith.addf %add3A_21, %add3A_25 : vector<2000x64xf32>
    %max3A = arith.constant 0.000000e+00 : f32
    %max3A_27 = vector.broadcast %max3A : f32 to vector<2000x64xf32>
    %max3A_28 = arith.maximumf %add3A_26, %max3A_27 : vector<2000x64xf32>
    %logistic3A = arith.negf %max3A_28 : vector<2000x64xf32>
    %logistic3A_29 = math.exp %logistic3A : vector<2000x64xf32>
    %logistic3A_30 = arith.constant 1.000000e+00 : f32
    %logistic3A_31 = vector.broadcast %logistic3A_30 : f32 to vector<2000x64xf32>
    %logistic3A_32 = arith.addf %logistic3A_31, %logistic3A_29 : vector<2000x64xf32>
    %logistic3A_33 = arith.divf %logistic3A_31, %logistic3A_32 : vector<2000x64xf32>
    %mul3A = arith.mulf %max3A_28, %logistic3A_33 : vector<2000x64xf32>
    %get3A_34 = arith.constant 0 : index
    %get3A_35 = arith.constant 0 : index
    %get3A_36 = vector.load %arg6[%get3A_34, %get3A_35] : memref<8x64xf32, #tpu.memory_space<vmem>>, vector<8x64xf32>
    %dot_general3A_37 = arith.constant dense<0.000000e+00> : vector<2000x8xf32>
    %dot_general3A_38 = tpu.matmul %mul3A, %get3A_36, %dot_general3A_37 {dimension_numbers = #tpu.dot_dimension_numbers<[1], [1], [0], [0], [0, 0, 1, 0], [], []>, transpose_lhs_hint = false} : vector<2000x64xf32>, vector<8x64xf32>, vector<2000x8xf32> -> vector<2000x8xf32>
    %ge3A = arith.constant -0.199999988 : f32
    %ge3A_39 = vector.broadcast %ge3A : f32 to vector<2000x64xf32>
    %ge3A_40 = arith.cmpf oge, %max3A_28, %ge3A_39 : vector<2000x64xf32>
    %convert_element_type3A = arith.extui %ge3A_40 : vector<2000x64xi1> to vector<2000x64xi32>
    %convert_element_type3A_41 = arith.sitofp %convert_element_type3A : vector<2000x64xi32> to vector<2000x64xf32>
    %ge3A_42 = arith.constant 0.200000048 : f32
    %ge3A_43 = vector.broadcast %ge3A_42 : f32 to vector<2000x64xf32>
    %ge3A_44 = arith.cmpf oge, %max3A_28, %ge3A_43 : vector<2000x64xf32>
    %convert_element_type3A_45 = arith.extui %ge3A_44 : vector<2000x64xi1> to vector<2000x64xi32>
    %convert_element_type3A_46 = arith.sitofp %convert_element_type3A_45 : vector<2000x64xi32> to vector<2000x64xf32>
    %ge3A_47 = arith.constant 6.000000e-01 : f32
    %ge3A_48 = vector.broadcast %ge3A_47 : f32 to vector<2000x64xf32>
    %ge3A_49 = arith.cmpf oge, %max3A_28, %ge3A_48 : vector<2000x64xf32>
    %convert_element_type3A_50 = arith.extui %ge3A_49 : vector<2000x64xi1> to vector<2000x64xi32>
    %convert_element_type3A_51 = arith.sitofp %convert_element_type3A_50 : vector<2000x64xi32> to vector<2000x64xf32>
    %ge3A_52 = arith.constant 1.000000e+00 : f32
    %ge3A_53 = vector.broadcast %ge3A_52 : f32 to vector<2000x64xf32>
    %ge3A_54 = arith.cmpf oge, %max3A_28, %ge3A_53 : vector<2000x64xf32>
    %convert_element_type3A_55 = arith.extui %ge3A_54 : vector<2000x64xi1> to vector<2000x64xi32>
    %convert_element_type3A_56 = arith.sitofp %convert_element_type3A_55 : vector<2000x64xi32> to vector<2000x64xf32>
    %ge3A_57 = arith.constant 1.4000001 : f32
    %ge3A_58 = vector.broadcast %ge3A_57 : f32 to vector<2000x64xf32>
    %ge3A_59 = arith.cmpf oge, %max3A_28, %ge3A_58 : vector<2000x64xf32>
    %convert_element_type3A_60 = arith.extui %ge3A_59 : vector<2000x64xi1> to vector<2000x64xi32>
    %convert_element_type3A_61 = arith.sitofp %convert_element_type3A_60 : vector<2000x64xi32> to vector<2000x64xf32>
    %ge3A_62 = arith.constant 1.800000e+00 : f32
    %ge3A_63 = vector.broadcast %ge3A_62 : f32 to vector<2000x64xf32>
    %ge3A_64 = arith.cmpf oge, %max3A_28, %ge3A_63 : vector<2000x64xf32>
    %convert_element_type3A_65 = arith.extui %ge3A_64 : vector<2000x64xi1> to vector<2000x64xi32>
    %convert_element_type3A_66 = arith.sitofp %convert_element_type3A_65 : vector<2000x64xi32> to vector<2000x64xf32>
    %ge3A_67 = arith.constant 2.200000e+00 : f32
    %ge3A_68 = vector.broadcast %ge3A_67 : f32 to vector<2000x64xf32>
    %ge3A_69 = arith.cmpf oge, %max3A_28, %ge3A_68 : vector<2000x64xf32>
    %convert_element_type3A_70 = arith.extui %ge3A_69 : vector<2000x64xi1> to vector<2000x64xi32>
    %convert_element_type3A_71 = arith.sitofp %convert_element_type3A_70 : vector<2000x64xi32> to vector<2000x64xf32>
    %sub3A = arith.subf %convert_element_type3A_41, %convert_element_type3A_46 : vector<2000x64xf32>
    %sub3A_72 = arith.subf %convert_element_type3A_46, %convert_element_type3A_51 : vector<2000x64xf32>
    %sub3A_73 = arith.subf %convert_element_type3A_51, %convert_element_type3A_56 : vector<2000x64xf32>
    %sub3A_74 = arith.subf %convert_element_type3A_56, %convert_element_type3A_61 : vector<2000x64xf32>
    %sub3A_75 = arith.subf %convert_element_type3A_61, %convert_element_type3A_66 : vector<2000x64xf32>
    %sub3A_76 = arith.subf %convert_element_type3A_66, %convert_element_type3A_71 : vector<2000x64xf32>
    %sub3A_77 = arith.constant -0.199999988 : f32
    %sub3A_78 = vector.broadcast %sub3A_77 : f32 to vector<2000x64xf32>
    %sub3A_79 = arith.subf %max3A_28, %sub3A_78 : vector<2000x64xf32>
    %mul3A_80 = arith.constant 2.49999976 : f32
    %mul3A_81 = vector.broadcast %mul3A_80 : f32 to vector<2000x64xf32>
    %mul3A_82 = arith.mulf %sub3A_79, %mul3A_81 : vector<2000x64xf32>
    %sub3A_83 = arith.constant 0.200000048 : f32
    %sub3A_84 = vector.broadcast %sub3A_83 : f32 to vector<2000x64xf32>
    %sub3A_85 = arith.subf %max3A_28, %sub3A_84 : vector<2000x64xf32>
    %mul3A_86 = arith.constant 2.50000024 : f32
    %mul3A_87 = vector.broadcast %mul3A_86 : f32 to vector<2000x64xf32>
    %mul3A_88 = arith.mulf %sub3A_85, %mul3A_87 : vector<2000x64xf32>
    %sub3A_89 = arith.constant 6.000000e-01 : f32
    %sub3A_90 = vector.broadcast %sub3A_89 : f32 to vector<2000x64xf32>
    %sub3A_91 = arith.subf %max3A_28, %sub3A_90 : vector<2000x64xf32>
    %mul3A_92 = arith.constant 2.50000024 : f32
    %mul3A_93 = vector.broadcast %mul3A_92 : f32 to vector<2000x64xf32>
    %mul3A_94 = arith.mulf %sub3A_91, %mul3A_93 : vector<2000x64xf32>
    %sub3A_95 = arith.constant 1.000000e+00 : f32
    %sub3A_96 = vector.broadcast %sub3A_95 : f32 to vector<2000x64xf32>
    %sub3A_97 = arith.subf %max3A_28, %sub3A_96 : vector<2000x64xf32>
    %mul3A_98 = arith.constant 2.49999952 : f32
    %mul3A_99 = vector.broadcast %mul3A_98 : f32 to vector<2000x64xf32>
    %mul3A_100 = arith.mulf %sub3A_97, %mul3A_99 : vector<2000x64xf32>
    %sub3A_101 = arith.constant 1.4000001 : f32
    %sub3A_102 = vector.broadcast %sub3A_101 : f32 to vector<2000x64xf32>
    %sub3A_103 = arith.subf %max3A_28, %sub3A_102 : vector<2000x64xf32>
    %mul3A_104 = arith.constant 2.50000095 : f32
    %mul3A_105 = vector.broadcast %mul3A_104 : f32 to vector<2000x64xf32>
    %mul3A_106 = arith.mulf %sub3A_103, %mul3A_105 : vector<2000x64xf32>
    %sub3A_107 = arith.constant 1.800000e+00 : f32
    %sub3A_108 = vector.broadcast %sub3A_107 : f32 to vector<2000x64xf32>
    %sub3A_109 = arith.subf %max3A_28, %sub3A_108 : vector<2000x64xf32>
    %mul3A_110 = arith.constant 2.49999952 : f32
    %mul3A_111 = vector.broadcast %mul3A_110 : f32 to vector<2000x64xf32>
    %mul3A_112 = arith.mulf %sub3A_109, %mul3A_111 : vector<2000x64xf32>
    %sub3A_113 = arith.constant 1.000000e+00 : f32
    %sub3A_114 = vector.broadcast %sub3A_113 : f32 to vector<2000x64xf32>
    %sub3A_115 = arith.subf %sub3A_114, %mul3A_82 : vector<2000x64xf32>
    %mul3A_116 = arith.mulf %sub3A_115, %sub3A : vector<2000x64xf32>
    %mul3A_117 = arith.mulf %mul3A_82, %sub3A : vector<2000x64xf32>
    %sub3A_118 = arith.constant 1.000000e+00 : f32
    %sub3A_119 = vector.broadcast %sub3A_118 : f32 to vector<2000x64xf32>
    %sub3A_120 = arith.subf %sub3A_119, %mul3A_88 : vector<2000x64xf32>
    %mul3A_121 = arith.mulf %sub3A_120, %sub3A_72 : vector<2000x64xf32>
    %add3A_122 = arith.addf %mul3A_117, %mul3A_121 : vector<2000x64xf32>
    %mul3A_123 = arith.mulf %mul3A_88, %sub3A_72 : vector<2000x64xf32>
    %sub3A_124 = arith.constant 1.000000e+00 : f32
    %sub3A_125 = vector.broadcast %sub3A_124 : f32 to vector<2000x64xf32>
    %sub3A_126 = arith.subf %sub3A_125, %mul3A_94 : vector<2000x64xf32>
    %mul3A_127 = arith.mulf %sub3A_126, %sub3A_73 : vector<2000x64xf32>
    %add3A_128 = arith.addf %mul3A_123, %mul3A_127 : vector<2000x64xf32>
    %mul3A_129 = arith.mulf %mul3A_94, %sub3A_73 : vector<2000x64xf32>
    %sub3A_130 = arith.constant 1.000000e+00 : f32
    %sub3A_131 = vector.broadcast %sub3A_130 : f32 to vector<2000x64xf32>
    %sub3A_132 = arith.subf %sub3A_131, %mul3A_100 : vector<2000x64xf32>
    %mul3A_133 = arith.mulf %sub3A_132, %sub3A_74 : vector<2000x64xf32>
    %add3A_134 = arith.addf %mul3A_129, %mul3A_133 : vector<2000x64xf32>
    %mul3A_135 = arith.mulf %mul3A_100, %sub3A_74 : vector<2000x64xf32>
    %sub3A_136 = arith.constant 1.000000e+00 : f32
    %sub3A_137 = vector.broadcast %sub3A_136 : f32 to vector<2000x64xf32>
    %sub3A_138 = arith.subf %sub3A_137, %mul3A_106 : vector<2000x64xf32>
    %mul3A_139 = arith.mulf %sub3A_138, %sub3A_75 : vector<2000x64xf32>
    %add3A_140 = arith.addf %mul3A_135, %mul3A_139 : vector<2000x64xf32>
    %mul3A_141 = arith.mulf %mul3A_106, %sub3A_75 : vector<2000x64xf32>
    %sub3A_142 = arith.constant 1.000000e+00 : f32
    %sub3A_143 = vector.broadcast %sub3A_142 : f32 to vector<2000x64xf32>
    %sub3A_144 = arith.subf %sub3A_143, %mul3A_112 : vector<2000x64xf32>
    %mul3A_145 = arith.mulf %sub3A_144, %sub3A_76 : vector<2000x64xf32>
    %add3A_146 = arith.addf %mul3A_141, %mul3A_145 : vector<2000x64xf32>
    %sub3A_147 = arith.constant -6.000000e-01 : f32
    %sub3A_148 = vector.broadcast %sub3A_147 : f32 to vector<2000x64xf32>
    %sub3A_149 = arith.subf %max3A_28, %sub3A_148 : vector<2000x64xf32>
    %mul3A_150 = arith.constant 1.24999988 : f32
    %mul3A_151 = vector.broadcast %mul3A_150 : f32 to vector<2000x64xf32>
    %mul3A_152 = arith.mulf %sub3A_149, %mul3A_151 : vector<2000x64xf32>
    %sub3A_153 = arith.constant -0.199999988 : f32
    %sub3A_154 = vector.broadcast %sub3A_153 : f32 to vector<2000x64xf32>
    %sub3A_155 = arith.subf %max3A_28, %sub3A_154 : vector<2000x64xf32>
    %mul3A_156 = arith.constant 1.250000e+00 : f32
    %mul3A_157 = vector.broadcast %mul3A_156 : f32 to vector<2000x64xf32>
    %mul3A_158 = arith.mulf %sub3A_155, %mul3A_157 : vector<2000x64xf32>
    %sub3A_159 = arith.constant 0.200000048 : f32
    %sub3A_160 = vector.broadcast %sub3A_159 : f32 to vector<2000x64xf32>
    %sub3A_161 = arith.subf %max3A_28, %sub3A_160 : vector<2000x64xf32>
    %mul3A_162 = arith.constant 1.25000012 : f32
    %mul3A_163 = vector.broadcast %mul3A_162 : f32 to vector<2000x64xf32>
    %mul3A_164 = arith.mulf %sub3A_161, %mul3A_163 : vector<2000x64xf32>
    %sub3A_165 = arith.constant 6.000000e-01 : f32
    %sub3A_166 = vector.broadcast %sub3A_165 : f32 to vector<2000x64xf32>
    %sub3A_167 = arith.subf %max3A_28, %sub3A_166 : vector<2000x64xf32>
    %mul3A_168 = arith.constant 1.24999988 : f32
    %mul3A_169 = vector.broadcast %mul3A_168 : f32 to vector<2000x64xf32>
    %mul3A_170 = arith.mulf %sub3A_167, %mul3A_169 : vector<2000x64xf32>
    %sub3A_171 = arith.constant 1.000000e+00 : f32
    %sub3A_172 = vector.broadcast %sub3A_171 : f32 to vector<2000x64xf32>
    %sub3A_173 = arith.subf %max3A_28, %sub3A_172 : vector<2000x64xf32>
    %mul3A_174 = arith.constant 1.25000012 : f32
    %mul3A_175 = vector.broadcast %mul3A_174 : f32 to vector<2000x64xf32>
    %mul3A_176 = arith.mulf %sub3A_173, %mul3A_175 : vector<2000x64xf32>
    %sub3A_177 = arith.constant 1.4000001 : f32
    %sub3A_178 = vector.broadcast %sub3A_177 : f32 to vector<2000x64xf32>
    %sub3A_179 = arith.subf %max3A_28, %sub3A_178 : vector<2000x64xf32>
    %mul3A_180 = arith.constant 1.25000012 : f32
    %mul3A_181 = vector.broadcast %mul3A_180 : f32 to vector<2000x64xf32>
    %mul3A_182 = arith.mulf %sub3A_179, %mul3A_181 : vector<2000x64xf32>
    %sub3A_183 = arith.constant 1.000000e+00 : f32
    %sub3A_184 = vector.broadcast %sub3A_183 : f32 to vector<2000x64xf32>
    %sub3A_185 = arith.subf %sub3A_184, %mul3A_152 : vector<2000x64xf32>
    %mul3A_186 = arith.mulf %sub3A_185, %mul3A_116 : vector<2000x64xf32>
    %mul3A_187 = arith.mulf %mul3A_152, %mul3A_116 : vector<2000x64xf32>
    %sub3A_188 = arith.constant 1.000000e+00 : f32
    %sub3A_189 = vector.broadcast %sub3A_188 : f32 to vector<2000x64xf32>
    %sub3A_190 = arith.subf %sub3A_189, %mul3A_158 : vector<2000x64xf32>
    %mul3A_191 = arith.mulf %sub3A_190, %add3A_122 : vector<2000x64xf32>
    %add3A_192 = arith.addf %mul3A_187, %mul3A_191 : vector<2000x64xf32>
    %mul3A_193 = arith.mulf %mul3A_158, %add3A_122 : vector<2000x64xf32>
    %sub3A_194 = arith.constant 1.000000e+00 : f32
    %sub3A_195 = vector.broadcast %sub3A_194 : f32 to vector<2000x64xf32>
    %sub3A_196 = arith.subf %sub3A_195, %mul3A_164 : vector<2000x64xf32>
    %mul3A_197 = arith.mulf %sub3A_196, %add3A_128 : vector<2000x64xf32>
    %add3A_198 = arith.addf %mul3A_193, %mul3A_197 : vector<2000x64xf32>
    %mul3A_199 = arith.mulf %mul3A_164, %add3A_128 : vector<2000x64xf32>
    %sub3A_200 = arith.constant 1.000000e+00 : f32
    %sub3A_201 = vector.broadcast %sub3A_200 : f32 to vector<2000x64xf32>
    %sub3A_202 = arith.subf %sub3A_201, %mul3A_170 : vector<2000x64xf32>
    %mul3A_203 = arith.mulf %sub3A_202, %add3A_134 : vector<2000x64xf32>
    %add3A_204 = arith.addf %mul3A_199, %mul3A_203 : vector<2000x64xf32>
    %mul3A_205 = arith.mulf %mul3A_170, %add3A_134 : vector<2000x64xf32>
    %sub3A_206 = arith.constant 1.000000e+00 : f32
    %sub3A_207 = vector.broadcast %sub3A_206 : f32 to vector<2000x64xf32>
    %sub3A_208 = arith.subf %sub3A_207, %mul3A_176 : vector<2000x64xf32>
    %mul3A_209 = arith.mulf %sub3A_208, %add3A_140 : vector<2000x64xf32>
    %add3A_210 = arith.addf %mul3A_205, %mul3A_209 : vector<2000x64xf32>
    %mul3A_211 = arith.mulf %mul3A_176, %add3A_140 : vector<2000x64xf32>
    %sub3A_212 = arith.constant 1.000000e+00 : f32
    %sub3A_213 = vector.broadcast %sub3A_212 : f32 to vector<2000x64xf32>
    %sub3A_214 = arith.subf %sub3A_213, %mul3A_182 : vector<2000x64xf32>
    %mul3A_215 = arith.mulf %sub3A_214, %add3A_146 : vector<2000x64xf32>
    %add3A_216 = arith.addf %mul3A_211, %mul3A_215 : vector<2000x64xf32>
    %sub3A_217 = arith.constant -1.000000e+00 : f32
    %sub3A_218 = vector.broadcast %sub3A_217 : f32 to vector<2000x64xf32>
    %sub3A_219 = arith.subf %max3A_28, %sub3A_218 : vector<2000x64xf32>
    %mul3A_220 = arith.constant 0.833333313 : f32
    %mul3A_221 = vector.broadcast %mul3A_220 : f32 to vector<2000x64xf32>
    %mul3A_222 = arith.mulf %sub3A_219, %mul3A_221 : vector<2000x64xf32>
    %sub3A_223 = arith.constant -6.000000e-01 : f32
    %sub3A_224 = vector.broadcast %sub3A_223 : f32 to vector<2000x64xf32>
    %sub3A_225 = arith.subf %max3A_28, %sub3A_224 : vector<2000x64xf32>
    %mul3A_226 = arith.constant 0.833333313 : f32
    %mul3A_227 = vector.broadcast %mul3A_226 : f32 to vector<2000x64xf32>
    %mul3A_228 = arith.mulf %sub3A_225, %mul3A_227 : vector<2000x64xf32>
    %sub3A_229 = arith.constant -0.199999988 : f32
    %sub3A_230 = vector.broadcast %sub3A_229 : f32 to vector<2000x64xf32>
    %sub3A_231 = arith.subf %max3A_28, %sub3A_230 : vector<2000x64xf32>
    %mul3A_232 = arith.constant 0.833333313 : f32
    %mul3A_233 = vector.broadcast %mul3A_232 : f32 to vector<2000x64xf32>
    %mul3A_234 = arith.mulf %sub3A_231, %mul3A_233 : vector<2000x64xf32>
    %sub3A_235 = arith.constant 0.200000048 : f32
    %sub3A_236 = vector.broadcast %sub3A_235 : f32 to vector<2000x64xf32>
    %sub3A_237 = arith.subf %max3A_28, %sub3A_236 : vector<2000x64xf32>
    %mul3A_238 = arith.constant 0.833333313 : f32
    %mul3A_239 = vector.broadcast %mul3A_238 : f32 to vector<2000x64xf32>
    %mul3A_240 = arith.mulf %sub3A_237, %mul3A_239 : vector<2000x64xf32>
    %sub3A_241 = arith.constant 6.000000e-01 : f32
    %sub3A_242 = vector.broadcast %sub3A_241 : f32 to vector<2000x64xf32>
    %sub3A_243 = arith.subf %max3A_28, %sub3A_242 : vector<2000x64xf32>
    %mul3A_244 = arith.constant 0.833333373 : f32
    %mul3A_245 = vector.broadcast %mul3A_244 : f32 to vector<2000x64xf32>
    %mul3A_246 = arith.mulf %sub3A_243, %mul3A_245 : vector<2000x64xf32>
    %sub3A_247 = arith.constant 1.000000e+00 : f32
    %sub3A_248 = vector.broadcast %sub3A_247 : f32 to vector<2000x64xf32>
    %sub3A_249 = arith.subf %max3A_28, %sub3A_248 : vector<2000x64xf32>
    %mul3A_250 = arith.constant 0.833333313 : f32
    %mul3A_251 = vector.broadcast %mul3A_250 : f32 to vector<2000x64xf32>
    %mul3A_252 = arith.mulf %sub3A_249, %mul3A_251 : vector<2000x64xf32>
    %sub3A_253 = arith.constant 1.000000e+00 : f32
    %sub3A_254 = vector.broadcast %sub3A_253 : f32 to vector<2000x64xf32>
    %sub3A_255 = arith.subf %sub3A_254, %mul3A_222 : vector<2000x64xf32>
    %mul3A_256 = arith.mulf %sub3A_255, %mul3A_186 : vector<2000x64xf32>
    %mul3A_257 = arith.mulf %mul3A_222, %mul3A_186 : vector<2000x64xf32>
    %sub3A_258 = arith.constant 1.000000e+00 : f32
    %sub3A_259 = vector.broadcast %sub3A_258 : f32 to vector<2000x64xf32>
    %sub3A_260 = arith.subf %sub3A_259, %mul3A_228 : vector<2000x64xf32>
    %mul3A_261 = arith.mulf %sub3A_260, %add3A_192 : vector<2000x64xf32>
    %add3A_262 = arith.addf %mul3A_257, %mul3A_261 : vector<2000x64xf32>
    %mul3A_263 = arith.mulf %mul3A_228, %add3A_192 : vector<2000x64xf32>
    %sub3A_264 = arith.constant 1.000000e+00 : f32
    %sub3A_265 = vector.broadcast %sub3A_264 : f32 to vector<2000x64xf32>
    %sub3A_266 = arith.subf %sub3A_265, %mul3A_234 : vector<2000x64xf32>
    %mul3A_267 = arith.mulf %sub3A_266, %add3A_198 : vector<2000x64xf32>
    %add3A_268 = arith.addf %mul3A_263, %mul3A_267 : vector<2000x64xf32>
    %mul3A_269 = arith.mulf %mul3A_234, %add3A_198 : vector<2000x64xf32>
    %sub3A_270 = arith.constant 1.000000e+00 : f32
    %sub3A_271 = vector.broadcast %sub3A_270 : f32 to vector<2000x64xf32>
    %sub3A_272 = arith.subf %sub3A_271, %mul3A_240 : vector<2000x64xf32>
    %mul3A_273 = arith.mulf %sub3A_272, %add3A_204 : vector<2000x64xf32>
    %add3A_274 = arith.addf %mul3A_269, %mul3A_273 : vector<2000x64xf32>
    %mul3A_275 = arith.mulf %mul3A_240, %add3A_204 : vector<2000x64xf32>
    %sub3A_276 = arith.constant 1.000000e+00 : f32
    %sub3A_277 = vector.broadcast %sub3A_276 : f32 to vector<2000x64xf32>
    %sub3A_278 = arith.subf %sub3A_277, %mul3A_246 : vector<2000x64xf32>
    %mul3A_279 = arith.mulf %sub3A_278, %add3A_210 : vector<2000x64xf32>
    %add3A_280 = arith.addf %mul3A_275, %mul3A_279 : vector<2000x64xf32>
    %mul3A_281 = arith.mulf %mul3A_246, %add3A_210 : vector<2000x64xf32>
    %sub3A_282 = arith.constant 1.000000e+00 : f32
    %sub3A_283 = vector.broadcast %sub3A_282 : f32 to vector<2000x64xf32>
    %sub3A_284 = arith.subf %sub3A_283, %mul3A_252 : vector<2000x64xf32>
    %mul3A_285 = arith.mulf %sub3A_284, %add3A_216 : vector<2000x64xf32>
    %add3A_286 = arith.addf %mul3A_281, %mul3A_285 : vector<2000x64xf32>
    %concatenate3A = tpu.concatenate %mul3A_256, %add3A_262, %add3A_268, %add3A_274, %add3A_280, %add3A_286 in 1 : vector<2000x64xf32>, vector<2000x64xf32>, vector<2000x64xf32>, vector<2000x64xf32>, vector<2000x64xf32>, vector<2000x64xf32> -> vector<2000x384xf32>
    %get3A_287 = arith.constant 0 : index
    %get3A_288 = arith.constant 0 : index
    %get3A_289 = vector.load %arg7[%get3A_287, %get3A_288] : memref<8x384xf32, #tpu.memory_space<vmem>>, vector<8x384xf32>
    %dot_general3A_290 = arith.constant dense<0.000000e+00> : vector<2000x8xf32>
    %dot_general3A_291 = tpu.matmul %concatenate3A, %get3A_289, %dot_general3A_290 {dimension_numbers = #tpu.dot_dimension_numbers<[1], [1], [0], [0], [0, 0, 1, 0], [], []>, transpose_lhs_hint = false} : vector<2000x384xf32>, vector<8x384xf32>, vector<2000x8xf32> -> vector<2000x8xf32>
    %add3A_292 = arith.addf %dot_general3A_38, %dot_general3A_291 : vector<2000x8xf32>
    %swap3A = arith.constant 0 : index
    %swap3A_293 = arith.constant 0 : index
    %swap3A_294 = vector.load %arg8[%swap3A, %swap3A_293] : memref<2000x8xf32, #tpu.memory_space<vmem>>, vector<2000x8xf32>
    tpu.vector_store %arg8[%swap3A, %swap3A_293], %add3A_292 {strides = array<i32>} : memref<2000x8xf32, #tpu.memory_space<vmem>>, vector<2000x8xf32>,
    return
  }
  func.func @transform_0(%arg0: i32) -> (i32, i32) {
    %c0_i32 = arith.constant 0 : i32
    %c0_i32_0 = arith.constant 0 : i32
    return %arg0, %c0_i32 : i32, i32
  }
  func.func @transform_1(%arg0: i32) -> (i32, i32, i32) {
    %c0_i32 = arith.constant 0 : i32
    %c0_i32_0 = arith.constant 0 : i32
    %c0_i32_1 = arith.constant 0 : i32
    return %c0_i32, %arg0, %c0_i32_0 : i32, i32, i32
  }
  func.func @transform_2(%arg0: i32) -> (i32, i32) {
    %c0_i32 = arith.constant 0 : i32
    %c0_i32_0 = arith.constant 0 : i32
    %c0_i32_1 = arith.constant 0 : i32
    return %c0_i32, %c0_i32_0 : i32, i32
  }
  func.func @transform_3(%arg0: i32) -> (i32, i32) {
    %c0_i32 = arith.constant 0 : i32
    %c0_i32_0 = arith.constant 0 : i32
    %c0_i32_1 = arith.constant 0 : i32
    return %c0_i32, %c0_i32_0 : i32, i32
  }
  func.func @transform_4(%arg0: i32) -> (i32, i32) {
    %c0_i32 = arith.constant 0 : i32
    %c0_i32_0 = arith.constant 0 : i32
    %c0_i32_1 = arith.constant 0 : i32
    return %c0_i32, %c0_i32_0 : i32, i32
  }
  func.func @transform_5(%arg0: i32) -> (i32, i32) {
    %c0_i32 = arith.constant 0 : i32
    %c0_i32_0 = arith.constant 0 : i32
    %c0_i32_1 = arith.constant 0 : i32
    return %c0_i32, %c0_i32_0 : i32, i32
  }
  func.func @transform_6(%arg0: i32) -> (i32, i32) {
    %c0_i32 = arith.constant 0 : i32
    %c0_i32_0 = arith.constant 0 : i32
    %c0_i32_1 = arith.constant 0 : i32
    return %c0_i32, %c0_i32_0 : i32, i32
  }
  func.func @transform_7(%arg0: i32) -> (i32, i32) {
    %c0_i32 = arith.constant 0 : i32
    %c0_i32_0 = arith.constant 0 : i32
    return %arg0, %c0_i32 : i32, i32
  }
}

</mosaic_0001>

<sc_bundles>
// kernel: kernel.5.cloned.1.call-start
scs
__scs_entry_jumppad:
0x0: {  	(pc) =	sbr.rel $0x88, $3  }
0x1: {  	(tag) =	ssettag $0x0;
	lr =	simm.s32 $0x1  }
0x2: {  	[smem:$0x3F8C] =	sst lr;
	_ =	strace $0xD0000000  }
0x3: {  	_ = 	snop  }
0x4: {  	_ = 	snop  }
0x5: {  	_ = 	snop  }
0x6: {  	_ = 	snop  }
0x7: {  	_ = 	snop  }
__scs_overlays_trampoline_lowered:
0x8: {  	[smem:$0x3F9B] =	sst s0  }
0x9: {  	[smem:$0x3F9C] =	sst s1  }
0xa: {  	[smem:$0x3F9D] =	sst s2  }
0xb: {  	[smem:$0x3F9E] =	sst s3  }
0xc: {  	[smem:$0x3F9F] =	sst s4  }
0xd: {  	[smem:$0x3FA0] =	sst s5  }
0xe: {  	[smem:$0x3FA1] =	sst s6  }
0xf: {  	[smem:$0x3FA2] =	sst s7  }
0x10: {  	[smem:$0x3FA3] =	sst s8  }
0x11: {  	[smem:$0x3FA4] =	sst s9;
	s0 =	simm.s32 @!p0 $0x0  }
0x12: {  	s1 =	sld [smem:$0x3F8A];
	s0 =	simm.s32 @p0 $0x1  }
0x13: {  	[smem:$0x3FA5] =	sst s0;
	s0 =	simm.s32 @!p1 $0x0  }
0x14: {  	s2 =	sld [smem:$0x3F89];
	s0 =	simm.s32 @p1 $0x1  }
0x15: {  	[smem:$0x3FA6] =	sst s0;
	s0 =	simm.s32 @!p2 $0x0  }
0x16: {  	s3 =	sld [smem:$0x3FDB];
	s0 =	simm.s32 @p2 $0x1  }
0x17: {  	s4 =	simm.s32 $0x1BF5;
	[smem:$0x3FA8] =	sst s0  }
0x18: {  	s0 =	sld [smem:$0x3F8B];
	_ =	swait.ge [sflag:s4], $0x0  }
0x19: {  	s7 =	sld [smem:$0x3F8C]  }
0x1a: {  	s8 =	sadd.s32 $0xFFFFE003, lr  }
0x1b: {  	s9 =	sadd.s32 $0xFFFFFEF7, lr;
	s5 =	simm.s32 $0xFFFFFFFF;
	p2 =	slt.u32 s8, $0xFFFFF086  }
0x1c: {  	p1 =	slt.u32 s9, $0xF7A;
	s5 =	simm.s32 @!p2 $0x0  }
0x1d: {  	s5 =	simm.s32 @p1 $0x1;
	p0 =	seq.s32 s7, s2  }
0x1e: {  	s7 =	smul.u32 @!p0 $0xF7A, s2;
	p2 =	seq.s32 @!p0 s5, $0x0  }
0x1f: {  	s9 =	smul.u32 $0xF7A, s1;
	s8 =	simm.s32 @!p0 $0x1BF5;
	p2 =	por !p2, p0  }
0x20: {  	[sflag:s8] =	ssyncset.s32 @!p0 $0xFFFFF086;
	s6 =	sadd.s32 @!p0 s3, s7;
	s7 =	simm.s32 @!p0 $0x108  }
0x21: {  	s3 =	sadd.s32 s3, s9;
	s6 =	sadd.s32 @!p0 $0x88, s6;
	s7 =	simm.s32 @p2 $0x1082  }
0x22: {  	[simem:s7], [sflag:s8] =	dma.local @!p0 [hbm:s6], $0xF7A  }
0x23: {  	s9 =	sor.u32 $0xD0000000, s2;
	s6 =	simm.s32 $0x108;
	_ =	swait.ge @!p0 [sflag:s8], $0x0  }
0x24: {  	s3 =	sadd.s32 $0x88, s3;
	s6 =	simm.s32 @!p1 $0x1082;
	[sflag:s4] =	ssyncset.s32 $0xFFFFF086  }
0x25: {  	[simem:s6], [sflag:s4] =	dma.local [hbm:s3], $0xF7A  }
0x26: {  	[smem:$0x3F8C] =	sst s1;
	(tag) =	ssettag s2;
	_ =	strace s9  }
0x27: {  	s1 =	sld [smem:$0x3F9C]  }
0x28: {  	s2 =	sld [smem:$0x3F9D]  }
0x29: {  	s4 =	sld [smem:$0x3F9F]  }
0x2a: {  	p0 =	seq.s32 s5, $0x0;
	s5 =	sld [smem:$0x3FA0]  }
0x2b: {  	s6 =	sld [smem:$0x3FA1]  }
0x2c: {  	s7 =	sld [smem:$0x3FA2]  }
0x2d: {  	s3 =	simm.s32 $0x108;
	s8 =	sld [smem:$0x3FA3]  }
0x2e: {  	s3 =	simm.s32 @!p0 $0x1082;
	s9 =	sld [smem:$0x3FA4]  }
0x2f: {  	lr =	sadd.s32 s0, s3;
	s0 =	sld [smem:$0x3F9B]  }
0x30: {  	s3 =	sld [smem:$0x3F9E]  }
0x31: {  	[smem:$0x3FA7] =	sst s10  }
0x32: {  	s10 =	sld [smem:$0x3FA5];
	_ =	sdelay $0x3  }
0x33: {  	p0 =	seq.s32 s10, $0x1;
	s10 =	sld [smem:$0x3FA7];
	_ =	sdelay $0x3  }
0x34: {  	[smem:$0x3FA7] =	sst s10  }
0x35: {  	s10 =	sld [smem:$0x3FA6];
	_ =	sdelay $0x3  }
0x36: {  	p1 =	seq.s32 s10, $0x1;
	s10 =	sld [smem:$0x3FA7];
	_ =	sdelay $0x3  }
0x37: {  	[smem:$0x3FA7] =	sst s10  }
0x38: {  	s10 =	sld [smem:$0x3FA8]  }
0x39: {  	_ = 	snop;
	(pc) =	sbr.ind lr, $3  }
0x3a: {  	_ = 	snop  }
0x3b: {  	_ = 	snop  }
0x3c: {  	p2 =	seq.s32 s10, $0x1;
	s10 =	sld [smem:$0x3FA7]  }
0x3d: {  	_ =	shalt  }
0x3e: {  	_ =	shalt  }
0x3f: {  	_ =	shalt  }
0x40: {  	_ =	shalt  }
0x41: {  	_ =	shalt  }
0x42: {  	_ =	shalt  }
0x43: {  	_ =	shalt  }
0x44: {  	_ =	shalt  }
0x45: {  	_ =	shalt  }
0x46: {  	_ =	shalt  }
0x47: {  	_ =	shalt  }
0x48: {  	_ =	shalt  }
0x49: {  	_ =	shalt  }
0x4a: {  	_ =	shalt  }
0x4b: {  	_ =	shalt  }
0x4c: {  	_ =	shalt  }
0x4d: {  	_ =	shalt  }
0x4e: {  	_ =	shalt  }
0x4f: {  	_ =	shalt  }
0x50: {  	_ =	shalt  }
0x51: {  	_ =	shalt  }
0x52: {  	_ =	shalt  }
0x53: {  	_ =	shalt  }
0x54: {  	_ =	shalt  }
0x55: {  	_ =	shalt  }
0x56: {  	_ =	shalt  }
0x57: {  	_ =	shalt  }
0x58: {  	_ =	shalt  }
0x59: {  	_ =	shalt  }
0x5a: {  	_ =	shalt  }
0x5b: {  	_ =	shalt  }
0x5c: {  	_ =	shalt  }
0x5d: {  	_ =	shalt  }
0x5e: {  	_ =	shalt  }
0x5f: {  	_ =	shalt  }
0x60: {  	_ =	shalt  }
0x61: {  	_ =	shalt  }
0x62: {  	_ =	shalt  }
0x63: {  	_ =	shalt  }
0x64: {  	_ =	shalt  }
0x65: {  	_ =	shalt  }
0x66: {  	_ =	shalt  }
0x67: {  	_ =	shalt  }
0x68: {  	_ =	shalt  }
0x69: {  	_ =	shalt  }
0x6a: {  	_ =	shalt  }
0x6b: {  	_ =	shalt  }
0x6c: {  	_ =	shalt  }
0x6d: {  	_ =	shalt  }
0x6e: {  	_ =	shalt  }
0x6f: {  	_ =	shalt  }
0x70: {  	_ =	shalt  }
0x71: {  	_ =	shalt  }
0x72: {  	_ =	shalt  }
0x73: {  	_ =	shalt  }
0x74: {  	_ =	shalt  }
0x75: {  	_ =	shalt  }
0x76: {  	_ =	shalt  }
0x77: {  	_ =	shalt  }
0x78: {  	_ =	shalt  }
0x79: {  	_ =	shalt  }
0x7a: {  	_ =	shalt  }
0x7b: {  	_ =	shalt  }
0x7c: {  	_ =	shalt  }
0x7d: {  	_ =	shalt  }
0x7e: {  	_ =	shalt  }
0x7f: {  	_ =	shalt  }
0x80: {  	_ =	shalt  }
0x81: {  	_ =	shalt  }
0x82: {  	_ =	shalt  }
0x83: {  	_ =	shalt  }
0x84: {  	_ =	shalt  }
0x85: {  	_ =	shalt  }
0x86: {  	_ =	shalt  }
0x87: {  	_ =	shalt  }
.Lfunc_end0:
.L_simem_size_0:
called_computation_lowered:
.L_overlay_start_0:
0x88: {  	s2 =	sld [smem:$0x3FD9]  }
0x89: {  	s3 =	sld [smem:$0x3FFE];
	_ =	sdelay $0x1  }
0x8a: {  	s1 =	srdreg.scid  }
0x8b: {  	s0 =	sand.u32 $0x1, s1  }
0x8c: {  	s17 =	sshll.u32 s0, $0xA;
	s2 =	sadd.s32 s3, s2  }
0x8d: {  	s2 =	sadd.s32 s2, s17  }
0x8e: {  	[smem:$0x3FB3] =	sst s2  }
0x8f: {  	_ = 	snop  }
0x90: {  	s2 =	sld [smem:$0x3FD0];
	(tm) =	ssettm $0x1  }
0x91: {  	s18 =	sld [smem:$0x3FFB];
	_ =	sdelay $0x3  }
0x92: {  	_ =	strace s18  }
0x93: {  	s3 =	sld [smem:$0x3FFC];
	_ =	sdelay $0x3  }
0x94: {  	_ =	strace s3  }
0x95: {  	s3 =	sld [smem:$0x3FFD];
	_ =	sdelay $0x3  }
0x96: {  	_ =	strace s3  }
0x97: {  	_ =	strace $0x8FFFFFFF  }
0x98: {  	s19 =	sld [smem:$0x3FDB];
	_ =	sdelay $0x1  }
0x99: {  	s4 =	simm.s32 $_scs_section_size  }
0x9a: {  	s5 =	simm.s32 $_size__tile_overlayer_lowered;
	s6 =	simm.s32 $_tile_overlayer_lowered  }
0x9b: {  	s22 =	simm.s32 $0x1BFF;
	s21 =	sshll.u32 s6, $0x1;
	s3 =	sadd.s32 s4, s19  }
0x9c: {  	s7 =	simm.s32 $0x0;
	s20 =	sshll.u32 s5, $0x1;
	s5 =	sadd.s32 s21, s3  }
0x9d: {  	[timem:s7], [sflag:s22] =	dma.local [hbm:s5], s20  }
0x9e: {  	_ =	swait.ge [sflag:s22], s20  }
0x9f: {  	s4 =	ssub.s32 $0x0, s20;
	[sflag:s22] =	ssyncset.done $0x0  }
0xa0: {  	[sflag:s22] =	ssyncadd.s32 s4;
	_ =	sdelay $0x1  }
0xa1: {  	s23 =	simm.s32 $0x1B8B  }
0xa2: {  	_ =	swait.ge [sflag:s23], $0x1  }
0xa3: {  	[sflag:s23] =	ssyncset.done $0x0  }
0xa4: {  	s25 =	simm.s32 $0x1B8E;
	s24 =	sld [smem:$0x3FFE];
	[sflag:s23] =	ssyncadd.s32 $0xFFFFFFFF  }
0xa5: {  	s26 =	simm.s32 $execute0_lowered;
	[smem:$0x3FD2] =	sst s25  }
0xa6: {  	s5 =	sshll.u32 s26, $0x1;
	_ =	strace $0x80000046;
	[dreg:$0x1] =	wrdreg $0xFFFFFFFF  }
0xa7: {  	s28 =	simm.s32 $_size_execute0_lowered;
	s3 =	sadd.s32 s3, s5;
	[dreg:$0x0] =	wrdreg $0x0  }
0xa8: {  	s5 =	sshll.u32 s28, $0x1;
	[dreg:$0x2] =	wrdreg s3  }
0xa9: {  	[dreg:$0x3] =	wrdreg s5  }
0xaa: {  	[dreg:$0x4] =	wrdreg $0xC0  }
0xab: {  	_ =	task [dreg:s7], $0x5FFFF  }
0xac: {  	[dreg:$0x1] =	wrdreg $0xFFFFFFFF  }
0xad: {  	[dreg:$0x0] =	wrdreg $0x60  }
0xae: {  	[dreg:$0x2] =	wrdreg s24  }
0xaf: {  	[dreg:$0x3] =	wrdreg s2  }
0xb0: {  	[dreg:$0x4] =	wrdreg $0xE8000  }
0xb1: {  	[dreg:$0x5] =	wrdreg $0x9  }
0xb2: {  	_ =	task.clear_ibuf [dreg:s7], $0x6FFFF;
	_ =	strace $0x90000046  }
0xb3: {  	s29 =	simm.s32 $0x9;
	_ =	strace $0x80000048  }
0xb4: {  	_ =	swait.ge [sflag:s29], $0x1  }
0xb5: {  	[sflag:s29] =	ssyncadd.s32 $0xFFFFFFFF  }
0xb6: {  	_ =	strace $0x90000048  }
0xb7: {  	_ =	sfence  }
0xb8: {  	s30 =	sld [smem:$0x0];
	_ =	sdelay $0x2  }
0xb9: {  	s31 =	sshll.u32 s1, $0xD;
	s1 =	sshrl.u32 s1, $0x2  }
0xba: {  	s3 =	sand.u32 $0x4000, s31;
	s1 =	sadd.s32 s1, s30  }
0xbb: {  	s0 =	sor.u32 s3, s0;
	s1 =	sshll.u32 s1, $0x11  }
0xbc: {  	s0 =	sor.u32 s1, s0  }
0xbd: {  	s0 =	sadd.s32 $0x8F2B, s0  }
0xbe: {  	[sflag:s0] =	ssyncadd.remote.s32 $0x1  }
0xbf: {  	_ =	sfence.sel $0xFFFF  }
0xc0: {  	[dreg:$0x0] =	wrdreg $0xFFFFFFFF;
	(pc) =	sbr.abs _section_cstart, $3  }
0xc1: {  	[dreg:$0x1] =	wrdreg $0xFFFFFFFF  }
0xc2: {  	_ =	task.clear_ibuf [dreg:s7], $0x2FFFF;
	_ =	strace $0x9FFFFFFF  }
0xc3: {  	(tm) =	ssettm $0x7FFFFFFF  }
tec
execute0_lowered:
.L_overlay_start_1:
0x0: {  	(tag) =	ssettag $0x1  }
0x1: {  	s0 =	srdreg.scid;
	s1 =	rddreg [dreg:$0x0]  }
0x2: {  	s7 =	rddreg [dreg:$0x1];
	s14 =	stileid.u32  }
0x3: {  	s2 =	rddreg [dreg:$0x2];
	s8 =	simm.s32 $0x0;
	s28 =	simm.s32 $0x800  }
0x4: {  	s29 =	simm.s32 $0x3800;
	s30 =	simm.s32 $0xC00;
	s31 =	simm.s32 $0x3C00  }
0x5: {  	s0 =	sand.u32 $0x1, s0;
	[smem:$0x7FF] =	sst s8;
	s4 =	sadd.s32 $0x20A00, s1  }
0x6: {  	s10 =	smul.u32 $0xC800, s14;
	s5 =	sadd.s32 $0x1BA00, s1;
	s11 =	sadd.s32 $0x2A00, s1  }
0x7: {  	s12 =	sadd.s32 $0x40200, s1;
	s3 =	sshll.u32 s0, $0x4;
	s9 =	smul.u32 $0xC8000, s0  }
0x8: {  	s0 =	ssub.s32 $0x2, s0;
	s6 =	sor.u32 s14, s3;
	s14 =	smul.u32 $0x32000, s14  }
0x9: {  	_ =	strace $0x80000047;
	s21 =	sshrl.u32 s0, $0x1;
	s3 =	smul.u32 $0x380, s6  }
0xa: {  	s20 =	sadd.s32 s10, s2;
	s9 =	sadd.s32 s10, s9;
	s15 =	smul.u32 $0x6400, s6  }
0xb: {  	s0 =	ssub.s32 s0, s21;
	s21 =	simm.s32 $0x400;
	s10 =	simm.s32 $0x2800  }
0xc: {  	s9 =	sshrl.u32 s9, $0x3;
	s22 =	sshrl.u32 s14, $0x2;
	s0 =	smax.u32 s0, $0x1  }
0xd: {  	s13 =	sadd.s32 s3, s1;
	s7 =	sadd.s32 s7, s3;
	[dreg:$0xc] =	wrdreg s0  }
0xe: {  	s1 =	sadd.s32 s9, s1;
	s23 =	sadd.s32 s22, s2;
	[dreg:$0x9] =	wrdreg s7  }
0xf: {  	s25 =	sshrl.u32 s15, $0x3;
	s26 =	sadd.s32 $0xC000, s23;
	[dreg:$0x10] =	wrdreg s23  }
0x10: {  	s22 =	simm.s32 $0xA800;
	s15 =	sadd.s32 s11, s25;
	[dreg:$0x4] =	wrdreg s26  }
0x11: {  	s3 =	simm.s32 $0x6000;
	s9 =	sadd.s32 s12, s25;
	[dreg:$0x5] =	wrdreg s15  }
0x12: {  	s16 =	sadd.s32 $0x680, s25;
	s19 =	sadd.s32 $0x39200, s13;
	[dreg:$0x6] =	wrdreg s9  }
0x13: {  	s1 =	sadd.s32 $0x59200, s1;
	s24 =	sadd.s32 $0x4000, s23;
	[dreg:$0xa] =	wrdreg s19  }
0x14: {  	s25 =	sadd.s32 $0x8000, s23;
	s23 =	simm.s32 $0x1;
	[dreg:$0xb] =	wrdreg s1  }
0x15: {  	s13 =	simm.s32 $0x0;
	s7 =	simm.s32 $0x1400;
	[dreg:$0xd] =	wrdreg s24  }
0x16: {  	s17 =	sadd.s32 s11, s16;
	s18 =	sadd.s32 s12, s16;
	[dreg:$0xe] =	wrdreg s25  }
0x17: {  	s19 =	simm.s32 $0x3;
	s26 =	sshrl.u32 s20, $0x3;
	s9 =	simm.s32 $0x1800  }
0x18: {  	s11 =	simm.s32 $0x4800;
	s20 =	simm.s32 $0x4C00;
	s16 =	simm.s32 $0x5000  }
0x19: {  	s25 =	simm.s32 $0x5400;
	s12 =	simm.s32 $0x5800;
	[dreg:$0x7] =	wrdreg s17  }
0x1a: {  	s24 =	simm.s32 $0x2C00;
	[dreg:$0x8] =	wrdreg s18;
	s18 =	simm.s32 $0x6800  }
0x1b: {  	v0 =	vimm.f32 $0.0e+00;
	[dreg:$0xf] =	wrdreg s26;
	s26 =	simm.s32 $0x2;
	s17 =	simm.s32 $0x2400  }
.LBB2_1:
0x1c: {  	s14 =	simm.s32 $0x40;
	s15 =	simm.s32 $0x0  }
.LBB2_2:
0x1d: {  	p0 =	sne.s32 s14, $0xFFC0;
	[tilespmem:s15+$0x6800] =	vst v0;
	s15 =	smov.u32 s14;
	s14 =	sadd.s32 $0x40, s14  }
.Ltmp0:
0x1e: {  	(pc) =	sbr.rel @p0 .LBB2_2-.Ltmp0, $2  }
0x1f: {  	_ =	sdelay $0x2  }
0x20: {  	s15 =	sshra.s32 s15, $0x2  }
0x21: {  	[tilespmem:s15+$0x6800] =	vst v0;
	s6 =	rddreg [dreg:$0x10]  }
0x22: {  	[spmem:s6] =	stream.linear.scatter [tilespmem:s18], [sflag:$0x3], $0x4000, $0x38;
	[tilespmem:$0x1B000] =	vst v63  }
0x23: {  	_ =	swait.ge [sflag:s19], $0x4000  }
0x24: {  	[sflag:s19] =	ssyncset.done $0x0  }
0x25: {  	s14 =	rddreg [dreg:$0xd];
	[sflag:s19] =	ssyncadd.s32 $0xFFFFC000  }
0x26: {  	[spmem:s14] =	stream.linear.scatter [tilespmem:s18], [sflag:$0x3], $0x4000, $0x38;
	[tilespmem:$0x1B000] =	vst v63  }
0x27: {  	_ =	swait.ge [sflag:s19], $0x4000  }
0x28: {  	[sflag:s19] =	ssyncset.done $0x0  }
0x29: {  	s15 =	rddreg [dreg:$0xe];
	[sflag:s19] =	ssyncadd.s32 $0xFFFFC000  }
0x2a: {  	[spmem:s15] =	stream.linear.scatter [tilespmem:s18], [sflag:$0x3], $0x4000, $0x38;
	[tilespmem:$0x1B000] =	vst v63  }
0x2b: {  	_ =	swait.ge [sflag:s19], $0x4000  }
0x2c: {  	[sflag:s19] =	ssyncset.done $0x0  }
0x2d: {  	s0 =	rddreg [dreg:$0x4];
	[sflag:s19] =	ssyncadd.s32 $0xFFFFC000  }
0x2e: {  	[spmem:s0] =	stream.linear.scatter [tilespmem:s18], [sflag:$0x3], $0x800, $0x38;
	[tilespmem:$0x1B000] =	vst v63  }
0x2f: {  	_ =	swait.ge [sflag:s19], $0x800  }
0x30: {  	[sflag:s19] =	ssyncset.done $0x0  }
0x31: {  	[sflag:s19] =	ssyncadd.s32 $0xFFFFF800  }
0x32: {  	[bflag:$0x0] =	sbarrier.arrive $0xFFFF  }
0x33: {  	s1 =	rddreg [dreg:$0x5]  }
0x34: {  	[tilespmem:s8], [sflag:$0x3] =	stream.linear.gather [hbm4b:s1+s8], $0x3400, $0x38;
	[tilespmem:$0x1B000] =	vst v63  }
0x35: {  	_ =	swait.ge [sflag:s19], $0x3400  }
0x36: {  	[sflag:s19] =	ssyncset.done $0x0  }
0x37: {  	s0 =	simm.s32 $0x3400;
	s6 =	rddreg [dreg:$0x6];
	[sflag:s19] =	ssyncadd.s32 $0xFFFFCC00  }
0x38: {  	[tilespmem:s0], [sflag:$0x3] =	stream.linear.gather [hbm4b:s6+s8], $0x3400, $0x38;
	[tilespmem:$0x1B000] =	vst v63  }
0x39: {  	_ =	swait.ge [sflag:s19], $0x3400  }
0x3a: {  	[sflag:s19] =	ssyncset.done $0x0  }
0x3b: {  	[sflag:s19] =	ssyncadd.s32 $0xFFFFCC00  }
0x3c: {  	[tilespmem:s18], [sflag:$0x1] =	stream.indirect.gather [hbm4b:s4+s21], $0x10, s8, s21, $0xb8;
	[tilespmem:$0x1B000] =	vst v63  }
0x3d: {  	_ = 	snop  }
0x3e: {  	[tilespmem:s22], [sflag:$0x2] =	stream.indirect.gather [hbm4b:s4+s21], $0x10, s21, s21, $0xb8;
	[tilespmem:$0x1B000] =	vst v63  }
0x3f: {  	_ =	swait.ge [sflag:s23], $0x4000  }
0x40: {  	[sflag:s23] =	ssyncset.done $0x0  }
0x41: {  	[sflag:s23] =	ssyncadd.s32 $0xFFFFC000  }
0x42: {  	[spmem:s2] =	stream.indirect.scatter.add.f32 [tilespmem:s18], [sflag:$0x3], $0x10, s0, s21, $0xb8;
	[tilespmem:$0x1B000] =	vst v63  }
0x43: {  	_ =	swait.ge [sflag:s19], $0x4000  }
0x44: {  	[sflag:s19] =	ssyncset.done $0x0  }
0x45: {  	[sflag:s19] =	ssyncadd.s32 $0xFFFFC000  }
0x46: {  	[tilespmem:s18], [sflag:$0x1] =	stream.indirect.gather [hbm4b:s4+s21], $0x10, s28, s21, $0xb8;
	[tilespmem:$0x1B000] =	vst v63  }
0x47: {  	_ =	swait.ge [sflag:s26], $0x4000  }
0x48: {  	[sflag:s26] =	ssyncset.done $0x0  }
0x49: {  	[sflag:s26] =	ssyncadd.s32 $0xFFFFC000  }
0x4a: {  	[spmem:s2] =	stream.indirect.scatter.add.f32 [tilespmem:s22], [sflag:$0x3], $0x10, s29, s21, $0xb8;
	[tilespmem:$0x1B000] =	vst v63  }
0x4b: {  	_ =	swait.ge [sflag:s19], $0x4000  }
0x4c: {  	[sflag:s19] =	ssyncset.done $0x0  }
0x4d: {  	[sflag:s19] =	ssyncadd.s32 $0xFFFFC000  }
0x4e: {  	[tilespmem:s22], [sflag:$0x2] =	stream.indirect.gather [hbm4b:s4+s21], $0x10, s30, s21, $0xb8;
	[tilespmem:$0x1B000] =	vst v63  }
0x4f: {  	_ =	swait.ge [sflag:s23], $0x4000  }
0x50: {  	[sflag:s23] =	ssyncset.done $0x0  }
0x51: {  	[sflag:s23] =	ssyncadd.s32 $0xFFFFC000  }
0x52: {  	[spmem:s2] =	stream.indirect.scatter.add.f32 [tilespmem:s18], [sflag:$0x3], $0x10, s31, s21, $0xb8;
	[tilespmem:$0x1B000] =	vst v63  }
0x53: {  	_ =	swait.ge [sflag:s19], $0x4000  }
0x54: {  	[sflag:s19] =	ssyncset.done $0x0  }
0x55: {  	s1 =	simm.s32 $0x1000;
	[sflag:s19] =	ssyncadd.s32 $0xFFFFC000  }
0x56: {  	[tilespmem:s18], [sflag:$0x1] =	stream.indirect.gather [hbm4b:s4+s21], $0x10, s1, s21, $0xb8;
	[tilespmem:$0x1B000] =	vst v63  }
0x57: {  	_ =	swait.ge [sflag:s26], $0x4000  }
0x58: {  	[sflag:s26] =	ssyncset.done $0x0  }
0x59: {  	s14 =	simm.s32 $0x4000;
	[sflag:s26] =	ssyncadd.s32 $0xFFFFC000  }
0x5a: {  	[spmem:s2] =	stream.indirect.scatter.add.f32 [tilespmem:s22], [sflag:$0x3], $0x10, s14, s21, $0xb8;
	[tilespmem:$0x1B000] =	vst v63  }
0x5b: {  	_ =	swait.ge [sflag:s19], $0x4000  }
0x5c: {  	[sflag:s19] =	ssyncset.done $0x0  }
0x5d: {  	[sflag:s19] =	ssyncadd.s32 $0xFFFFC000  }
0x5e: {  	[tilespmem:s22], [sflag:$0x2] =	stream.indirect.gather [hbm4b:s4+s21], $0x10, s7, s21, $0xb8;
	[tilespmem:$0x1B000] =	vst v63  }
0x5f: {  	_ =	swait.ge [sflag:s23], $0x4000  }
0x60: {  	[sflag:s23] =	ssyncset.done $0x0  }
0x61: {  	s15 =	simm.s32 $0x4400;
	[sflag:s23] =	ssyncadd.s32 $0xFFFFC000  }
0x62: {  	[spmem:s2] =	stream.indirect.scatter.add.f32 [tilespmem:s18], [sflag:$0x3], $0x10, s15, s21, $0xb8;
	[tilespmem:$0x1B000] =	vst v63  }
0x63: {  	_ =	swait.ge [sflag:s19], $0x4000  }
0x64: {  	[sflag:s19] =	ssyncset.done $0x0  }
0x65: {  	[sflag:s19] =	ssyncadd.s32 $0xFFFFC000  }
0x66: {  	[tilespmem:s18], [sflag:$0x1] =	stream.indirect.gather [hbm4b:s4+s21], $0x10, s9, s21, $0xb8;
	[tilespmem:$0x1B000] =	vst v63  }
0x67: {  	_ =	swait.ge [sflag:s26], $0x4000  }
0x68: {  	[sflag:s26] =	ssyncset.done $0x0  }
0x69: {  	[sflag:s26] =	ssyncadd.s32 $0xFFFFC000  }
0x6a: {  	[spmem:s2] =	stream.indirect.scatter.add.f32 [tilespmem:s22], [sflag:$0x3], $0x10, s11, s21, $0xb8;
	[tilespmem:$0x1B000] =	vst v63  }
0x6b: {  	_ =	swait.ge [sflag:s19], $0x4000  }
0x6c: {  	[sflag:s19] =	ssyncset.done $0x0  }
0x6d: {  	s6 =	simm.s32 $0x1C00;
	[sflag:s19] =	ssyncadd.s32 $0xFFFFC000  }
0x6e: {  	[tilespmem:s22], [sflag:$0x2] =	stream.indirect.gather [hbm4b:s4+s21], $0x10, s6, s21, $0xb8;
	[tilespmem:$0x1B000] =	vst v63  }
0x6f: {  	_ =	swait.ge [sflag:s23], $0x4000  }
0x70: {  	[sflag:s23] =	ssyncset.done $0x0  }
0x71: {  	[sflag:s23] =	ssyncadd.s32 $0xFFFFC000  }
0x72: {  	[spmem:s2] =	stream.indirect.scatter.add.f32 [tilespmem:s18], [sflag:$0x3], $0x10, s20, s21, $0xb8;
	[tilespmem:$0x1B000] =	vst v63  }
0x73: {  	_ =	swait.ge [sflag:s19], $0x4000  }
0x74: {  	[sflag:s19] =	ssyncset.done $0x0  }
0x75: {  	s15 =	simm.s32 $0x2000;
	[sflag:s19] =	ssyncadd.s32 $0xFFFFC000  }
0x76: {  	[tilespmem:s18], [sflag:$0x1] =	stream.indirect.gather [hbm4b:s4+s21], $0x10, s15, s21, $0xb8;
	[tilespmem:$0x1B000] =	vst v63  }
0x77: {  	_ =	swait.ge [sflag:s26], $0x4000  }
0x78: {  	[sflag:s26] =	ssyncset.done $0x0  }
0x79: {  	[sflag:s26] =	ssyncadd.s32 $0xFFFFC000  }
0x7a: {  	[spmem:s2] =	stream.indirect.scatter.add.f32 [tilespmem:s22], [sflag:$0x3], $0x10, s16, s21, $0xb8;
	[tilespmem:$0x1B000] =	vst v63  }
0x7b: {  	_ =	swait.ge [sflag:s19], $0x4000  }
0x7c: {  	[sflag:s19] =	ssyncset.done $0x0  }
0x7d: {  	[sflag:s19] =	ssyncadd.s32 $0xFFFFC000  }
0x7e: {  	[tilespmem:s22], [sflag:$0x2] =	stream.indirect.gather [hbm4b:s4+s21], $0x10, s17, s21, $0xb8;
	[tilespmem:$0x1B000] =	vst v63  }
0x7f: {  	_ =	swait.ge [sflag:s23], $0x4000  }
0x80: {  	[sflag:s23] =	ssyncset.done $0x0  }
0x81: {  	[sflag:s23] =	ssyncadd.s32 $0xFFFFC000  }
0x82: {  	[spmem:s2] =	stream.indirect.scatter.add.f32 [tilespmem:s18], [sflag:$0x3], $0x10, s25, s21, $0xb8;
	[tilespmem:$0x1B000] =	vst v63  }
0x83: {  	_ =	swait.ge [sflag:s19], $0x4000  }
0x84: {  	[sflag:s19] =	ssyncset.done $0x0  }
0x85: {  	[sflag:s19] =	ssyncadd.s32 $0xFFFFC000  }
0x86: {  	[tilespmem:s18], [sflag:$0x1] =	stream.indirect.gather [hbm4b:s4+s21], $0x10, s10, s21, $0xb8;
	[tilespmem:$0x1B000] =	vst v63  }
0x87: {  	_ =	swait.ge [sflag:s26], $0x4000  }
0x88: {  	[sflag:s26] =	ssyncset.done $0x0  }
0x89: {  	[sflag:s26] =	ssyncadd.s32 $0xFFFFC000  }
0x8a: {  	[spmem:s2] =	stream.indirect.scatter.add.f32 [tilespmem:s22], [sflag:$0x3], $0x10, s12, s21, $0xb8;
	[tilespmem:$0x1B000] =	vst v63  }
0x8b: {  	_ =	swait.ge [sflag:s19], $0x4000  }
0x8c: {  	[sflag:s19] =	ssyncset.done $0x0  }
0x8d: {  	[sflag:s19] =	ssyncadd.s32 $0xFFFFC000  }
0x8e: {  	[tilespmem:s22], [sflag:$0x2] =	stream.indirect.gather [hbm4b:s4+s21], $0x10, s24, s21, $0xb8;
	[tilespmem:$0x1B000] =	vst v63  }
0x8f: {  	_ =	swait.ge [sflag:s23], $0x4000  }
0x90: {  	[sflag:s23] =	ssyncset.done $0x0  }
0x91: {  	s1 =	simm.s32 $0x5C00;
	[sflag:s23] =	ssyncadd.s32 $0xFFFFC000  }
0x92: {  	[spmem:s2] =	stream.indirect.scatter.add.f32 [tilespmem:s18], [sflag:$0x3], $0x10, s1, s21, $0xb8;
	[tilespmem:$0x1B000] =	vst v63  }
0x93: {  	_ =	swait.ge [sflag:s19], $0x4000  }
0x94: {  	[sflag:s19] =	ssyncset.done $0x0  }
0x95: {  	s14 =	simm.s32 $0x3000;
	[sflag:s19] =	ssyncadd.s32 $0xFFFFC000  }
0x96: {  	[tilespmem:s18], [sflag:$0x1] =	stream.indirect.gather [hbm4b:s4+s21], $0x10, s14, s21, $0xb8;
	[tilespmem:$0x1B000] =	vst v63  }
0x97: {  	_ =	swait.ge [sflag:s26], $0x4000  }
0x98: {  	[sflag:s26] =	ssyncset.done $0x0  }
0x99: {  	[sflag:s26] =	ssyncadd.s32 $0xFFFFC000  }
0x9a: {  	[spmem:s2] =	stream.indirect.scatter.add.f32 [tilespmem:s22], [sflag:$0x3], $0x10, s3, s21, $0xb8;
	[tilespmem:$0x1B000] =	vst v63  }
0x9b: {  	_ =	swait.ge [sflag:s19], $0x4000  }
0x9c: {  	[sflag:s19] =	ssyncset.done $0x0  }
0x9d: {  	[sflag:s19] =	ssyncadd.s32 $0xFFFFC000  }
0x9e: {  	_ =	swait.ge [sflag:s23], $0x4000  }
0x9f: {  	[sflag:s23] =	ssyncset.done $0x0  }
0xa0: {  	s14 =	simm.s32 $0x6400;
	[sflag:s23] =	ssyncadd.s32 $0xFFFFC000  }
0xa1: {  	[spmem:s2] =	stream.indirect.scatter.add.f32 [tilespmem:s18], [sflag:$0x3], $0x10, s14, s21, $0xb8;
	[tilespmem:$0x1B000] =	vst v63  }
0xa2: {  	_ =	swait.ge [sflag:s19], $0x4000  }
0xa3: {  	[sflag:s19] =	ssyncset.done $0x0  }
0xa4: {  	s14 =	rddreg [dreg:$0x7];
	[sflag:s19] =	ssyncadd.s32 $0xFFFFC000  }
0xa5: {  	[tilespmem:s8], [sflag:$0x3] =	stream.linear.gather [hbm4b:s14+s8], $0x3000, $0x38;
	[tilespmem:$0x1B000] =	vst v63  }
0xa6: {  	_ =	swait.ge [sflag:s19], $0x3000  }
0xa7: {  	[sflag:s19] =	ssyncset.done $0x0  }
0xa8: {  	s14 =	rddreg [dreg:$0x8];
	[sflag:s19] =	ssyncadd.s32 $0xFFFFD000  }
0xa9: {  	[tilespmem:s0], [sflag:$0x3] =	stream.linear.gather [hbm4b:s14+s8], $0x3000, $0x38;
	[tilespmem:$0x1B000] =	vst v63  }
0xaa: {  	_ =	swait.ge [sflag:s19], $0x3000  }
0xab: {  	[sflag:s19] =	ssyncset.done $0x0  }
0xac: {  	[sflag:s19] =	ssyncadd.s32 $0xFFFFD000  }
0xad: {  	[tilespmem:s18], [sflag:$0x1] =	stream.indirect.gather [hbm4b:s4+s21], $0x10, s8, s21, $0xb8;
	[tilespmem:$0x1B000] =	vst v63  }
0xae: {  	_ = 	snop  }
0xaf: {  	[tilespmem:s22], [sflag:$0x2] =	stream.indirect.gather [hbm4b:s4+s21], $0x10, s21, s21, $0xb8;
	[tilespmem:$0x1B000] =	vst v63  }
0xb0: {  	_ =	swait.ge [sflag:s23], $0x4000  }
0xb1: {  	[sflag:s23] =	ssyncset.done $0x0  }
0xb2: {  	[sflag:s23] =	ssyncadd.s32 $0xFFFFC000  }
0xb3: {  	[spmem:s2] =	stream.indirect.scatter.add.f32 [tilespmem:s18], [sflag:$0x3], $0x10, s0, s21, $0xb8;
	[tilespmem:$0x1B000] =	vst v63  }
0xb4: {  	_ =	swait.ge [sflag:s19], $0x4000  }
0xb5: {  	[sflag:s19] =	ssyncset.done $0x0  }
0xb6: {  	[sflag:s19] =	ssyncadd.s32 $0xFFFFC000  }
0xb7: {  	[tilespmem:s18], [sflag:$0x1] =	stream.indirect.gather [hbm4b:s4+s21], $0x10, s28, s21, $0xb8;
	[tilespmem:$0x1B000] =	vst v63  }
0xb8: {  	_ =	swait.ge [sflag:s26], $0x4000  }
0xb9: {  	[sflag:s26] =	ssyncset.done $0x0  }
0xba: {  	[sflag:s26] =	ssyncadd.s32 $0xFFFFC000  }
0xbb: {  	[spmem:s2] =	stream.indirect.scatter.add.f32 [tilespmem:s22], [sflag:$0x3], $0x10, s29, s21, $0xb8;
	[tilespmem:$0x1B000] =	vst v63  }
0xbc: {  	_ =	swait.ge [sflag:s19], $0x4000  }
0xbd: {  	[sflag:s19] =	ssyncset.done $0x0  }
0xbe: {  	[sflag:s19] =	ssyncadd.s32 $0xFFFFC000  }
0xbf: {  	[tilespmem:s22], [sflag:$0x2] =	stream.indirect.gather [hbm4b:s4+s21], $0x10, s30, s21, $0xb8;
	[tilespmem:$0x1B000] =	vst v63  }
0xc0: {  	_ =	swait.ge [sflag:s23], $0x4000  }
0xc1: {  	[sflag:s23] =	ssyncset.done $0x0  }
0xc2: {  	[sflag:s23] =	ssyncadd.s32 $0xFFFFC000  }
0xc3: {  	[spmem:s2] =	stream.indirect.scatter.add.f32 [tilespmem:s18], [sflag:$0x3], $0x10, s31, s21, $0xb8;
	[tilespmem:$0x1B000] =	vst v63  }
0xc4: {  	_ =	swait.ge [sflag:s19], $0x4000  }
0xc5: {  	[sflag:s19] =	ssyncset.done $0x0  }
0xc6: {  	s14 =	simm.s32 $0x1000;
	[sflag:s19] =	ssyncadd.s32 $0xFFFFC000  }
0xc7: {  	[tilespmem:s18], [sflag:$0x1] =	stream.indirect.gather [hbm4b:s4+s21], $0x10, s14, s21, $0xb8;
	[tilespmem:$0x1B000] =	vst v63  }
0xc8: {  	_ =	swait.ge [sflag:s26], $0x4000  }
0xc9: {  	[sflag:s26] =	ssyncset.done $0x0  }
0xca: {  	s14 =	simm.s32 $0x4000;
	[sflag:s26] =	ssyncadd.s32 $0xFFFFC000  }
0xcb: {  	[spmem:s2] =	stream.indirect.scatter.add.f32 [tilespmem:s22], [sflag:$0x3], $0x10, s14, s21, $0xb8;
	[tilespmem:$0x1B000] =	vst v63  }
0xcc: {  	_ =	swait.ge [sflag:s19], $0x4000  }
0xcd: {  	[sflag:s19] =	ssyncset.done $0x0  }
0xce: {  	[sflag:s19] =	ssyncadd.s32 $0xFFFFC000  }
0xcf: {  	[tilespmem:s22], [sflag:$0x2] =	stream.indirect.gather [hbm4b:s4+s21], $0x10, s7, s21, $0xb8;
	[tilespmem:$0x1B000] =	vst v63  }
0xd0: {  	_ =	swait.ge [sflag:s23], $0x4000  }
0xd1: {  	[sflag:s23] =	ssyncset.done $0x0  }
0xd2: {  	s14 =	simm.s32 $0x4400;
	[sflag:s23] =	ssyncadd.s32 $0xFFFFC000  }
0xd3: {  	[spmem:s2] =	stream.indirect.scatter.add.f32 [tilespmem:s18], [sflag:$0x3], $0x10, s14, s21, $0xb8;
	[tilespmem:$0x1B000] =	vst v63  }
0xd4: {  	_ =	swait.ge [sflag:s19], $0x4000  }
0xd5: {  	[sflag:s19] =	ssyncset.done $0x0  }
0xd6: {  	[sflag:s19] =	ssyncadd.s32 $0xFFFFC000  }
0xd7: {  	[tilespmem:s18], [sflag:$0x1] =	stream.indirect.gather [hbm4b:s4+s21], $0x10, s9, s21, $0xb8;
	[tilespmem:$0x1B000] =	vst v63  }
0xd8: {  	_ =	swait.ge [sflag:s26], $0x4000  }
0xd9: {  	[sflag:s26] =	ssyncset.done $0x0  }
0xda: {  	[sflag:s26] =	ssyncadd.s32 $0xFFFFC000  }
0xdb: {  	[spmem:s2] =	stream.indirect.scatter.add.f32 [tilespmem:s22], [sflag:$0x3], $0x10, s11, s21, $0xb8;
	[tilespmem:$0x1B000] =	vst v63  }
0xdc: {  	_ =	swait.ge [sflag:s19], $0x4000  }
0xdd: {  	[sflag:s19] =	ssyncset.done $0x0  }
0xde: {  	[sflag:s19] =	ssyncadd.s32 $0xFFFFC000  }
0xdf: {  	[tilespmem:s22], [sflag:$0x2] =	stream.indirect.gather [hbm4b:s4+s21], $0x10, s6, s21, $0xb8;
	[tilespmem:$0x1B000] =	vst v63  }
0xe0: {  	_ =	swait.ge [sflag:s23], $0x4000  }
0xe1: {  	[sflag:s23] =	ssyncset.done $0x0  }
0xe2: {  	[sflag:s23] =	ssyncadd.s32 $0xFFFFC000  }
0xe3: {  	[spmem:s2] =	stream.indirect.scatter.add.f32 [tilespmem:s18], [sflag:$0x3], $0x10, s20, s21, $0xb8;
	[tilespmem:$0x1B000] =	vst v63  }
0xe4: {  	_ =	swait.ge [sflag:s19], $0x4000  }
0xe5: {  	[sflag:s19] =	ssyncset.done $0x0  }
0xe6: {  	[sflag:s19] =	ssyncadd.s32 $0xFFFFC000  }
0xe7: {  	[tilespmem:s18], [sflag:$0x1] =	stream.indirect.gather [hbm4b:s4+s21], $0x10, s15, s21, $0xb8;
	[tilespmem:$0x1B000] =	vst v63  }
0xe8: {  	_ =	swait.ge [sflag:s26], $0x4000  }
0xe9: {  	[sflag:s26] =	ssyncset.done $0x0  }
0xea: {  	[sflag:s26] =	ssyncadd.s32 $0xFFFFC000  }
0xeb: {  	[spmem:s2] =	stream.indirect.scatter.add.f32 [tilespmem:s22], [sflag:$0x3], $0x10, s16, s21, $0xb8;
	[tilespmem:$0x1B000] =	vst v63  }
0xec: {  	_ =	swait.ge [sflag:s19], $0x4000  }
0xed: {  	[sflag:s19] =	ssyncset.done $0x0  }
0xee: {  	[sflag:s19] =	ssyncadd.s32 $0xFFFFC000  }
0xef: {  	[tilespmem:s22], [sflag:$0x2] =	stream.indirect.gather [hbm4b:s4+s21], $0x10, s17, s21, $0xb8;
	[tilespmem:$0x1B000] =	vst v63  }
0xf0: {  	_ =	swait.ge [sflag:s23], $0x4000  }
0xf1: {  	[sflag:s23] =	ssyncset.done $0x0  }
0xf2: {  	[sflag:s23] =	ssyncadd.s32 $0xFFFFC000  }
0xf3: {  	[spmem:s2] =	stream.indirect.scatter.add.f32 [tilespmem:s18], [sflag:$0x3], $0x10, s25, s21, $0xb8;
	[tilespmem:$0x1B000] =	vst v63  }
0xf4: {  	_ =	swait.ge [sflag:s19], $0x4000  }
0xf5: {  	[sflag:s19] =	ssyncset.done $0x0  }
0xf6: {  	[sflag:s19] =	ssyncadd.s32 $0xFFFFC000  }
0xf7: {  	[tilespmem:s18], [sflag:$0x1] =	stream.indirect.gather [hbm4b:s4+s21], $0x10, s10, s21, $0xb8;
	[tilespmem:$0x1B000] =	vst v63  }
0xf8: {  	_ =	swait.ge [sflag:s26], $0x4000  }
0xf9: {  	[sflag:s26] =	ssyncset.done $0x0  }
0xfa: {  	[sflag:s26] =	ssyncadd.s32 $0xFFFFC000  }
0xfb: {  	[spmem:s2] =	stream.indirect.scatter.add.f32 [tilespmem:s22], [sflag:$0x3], $0x10, s12, s21, $0xb8;
	[tilespmem:$0x1B000] =	vst v63  }
0xfc: {  	_ =	swait.ge [sflag:s19], $0x4000  }
0xfd: {  	[sflag:s19] =	ssyncset.done $0x0  }
0xfe: {  	[sflag:s19] =	ssyncadd.s32 $0xFFFFC000  }
0xff: {  	[tilespmem:s22], [sflag:$0x2] =	stream.indirect.gather [hbm4b:s4+s21], $0x10, s24, s21, $0xb8;
	[tilespmem:$0x1B000] =	vst v63  }
0x100: {  	_ =	swait.ge [sflag:s23], $0x4000  }
0x101: {  	[sflag:s23] =	ssyncset.done $0x0  }
0x102: {  	[sflag:s23] =	ssyncadd.s32 $0xFFFFC000  }
0x103: {  	[spmem:s2] =	stream.indirect.scatter.add.f32 [tilespmem:s18], [sflag:$0x3], $0x10, s1, s21, $0xb8;
	[tilespmem:$0x1B000] =	vst v63  }
0x104: {  	_ =	swait.ge [sflag:s19], $0x4000  }
0x105: {  	[sflag:s19] =	ssyncset.done $0x0  }
0x106: {  	[sflag:s19] =	ssyncadd.s32 $0xFFFFC000  }
0x107: {  	_ =	swait.ge [sflag:s26], $0x4000  }
0x108: {  	[sflag:s26] =	ssyncset.done $0x0  }
0x109: {  	[sflag:s26] =	ssyncadd.s32 $0xFFFFC000  }
0x10a: {  	[spmem:s2] =	stream.indirect.scatter.add.f32 [tilespmem:s22], [sflag:$0x3], $0x10, s3, s21, $0xb8;
	[tilespmem:$0x1B000] =	vst v63  }
0x10b: {  	_ =	swait.ge [sflag:s19], $0x4000  }
0x10c: {  	[sflag:s19] =	ssyncset.done $0x0  }
0x10d: {  	s6 =	rddreg [dreg:$0x9];
	[sflag:s19] =	ssyncadd.s32 $0xFFFFC000  }
0x10e: {  	[tilespmem:s8], [sflag:$0x3] =	stream.linear.gather [hbm4b:s6+s8], $0x1C00, $0x38;
	[tilespmem:$0x1B000] =	vst v63  }
0x10f: {  	_ =	swait.ge [sflag:s19], $0x1C00  }
0x110: {  	[sflag:s19] =	ssyncset.done $0x0  }
0x111: {  	s15 =	rddreg [dreg:$0xa];
	[sflag:s19] =	ssyncadd.s32 $0xFFFFE400  }
0x112: {  	[tilespmem:s0], [sflag:$0x3] =	stream.linear.gather [hbm4b:s15+s8], $0x1C00, $0x38;
	[tilespmem:$0x1B000] =	vst v63  }
0x113: {  	_ =	swait.ge [sflag:s19], $0x1C00  }
0x114: {  	[sflag:s19] =	ssyncset.done $0x0  }
0x115: {  	[sflag:s19] =	ssyncadd.s32 $0xFFFFE400  }
0x116: {  	[tilespmem:s18], [sflag:$0x1] =	stream.indirect.gather [hbm4b:s5+s21], $0x10, s8, s21, $0xb8;
	[tilespmem:$0x1B000] =	vst v63  }
0x117: {  	_ = 	snop  }
0x118: {  	[tilespmem:s22], [sflag:$0x2] =	stream.indirect.gather [hbm4b:s5+s21], $0x10, s21, s21, $0xb8;
	[tilespmem:$0x1B000] =	vst v63  }
0x119: {  	_ =	swait.ge [sflag:s23], $0x4000  }
0x11a: {  	[sflag:s23] =	ssyncset.done $0x0  }
0x11b: {  	[sflag:s23] =	ssyncadd.s32 $0xFFFFC000  }
0x11c: {  	[spmem:s2] =	stream.indirect.scatter.add.f32 [tilespmem:s18], [sflag:$0x3], $0x10, s0, s21, $0xb8;
	[tilespmem:$0x1B000] =	vst v63  }
0x11d: {  	_ =	swait.ge [sflag:s19], $0x4000  }
0x11e: {  	[sflag:s19] =	ssyncset.done $0x0  }
0x11f: {  	[sflag:s19] =	ssyncadd.s32 $0xFFFFC000  }
0x120: {  	[tilespmem:s18], [sflag:$0x1] =	stream.indirect.gather [hbm4b:s5+s21], $0x10, s28, s21, $0xb8;
	[tilespmem:$0x1B000] =	vst v63  }
0x121: {  	_ =	swait.ge [sflag:s26], $0x4000  }
0x122: {  	[sflag:s26] =	ssyncset.done $0x0  }
0x123: {  	[sflag:s26] =	ssyncadd.s32 $0xFFFFC000  }
0x124: {  	[spmem:s2] =	stream.indirect.scatter.add.f32 [tilespmem:s22], [sflag:$0x3], $0x10, s29, s21, $0xb8;
	[tilespmem:$0x1B000] =	vst v63  }
0x125: {  	_ =	swait.ge [sflag:s19], $0x4000  }
0x126: {  	[sflag:s19] =	ssyncset.done $0x0  }
0x127: {  	[sflag:s19] =	ssyncadd.s32 $0xFFFFC000  }
0x128: {  	[tilespmem:s22], [sflag:$0x2] =	stream.indirect.gather [hbm4b:s5+s21], $0x10, s30, s21, $0xb8;
	[tilespmem:$0x1B000] =	vst v63  }
0x129: {  	_ =	swait.ge [sflag:s23], $0x4000  }
0x12a: {  	[sflag:s23] =	ssyncset.done $0x0  }
0x12b: {  	[sflag:s23] =	ssyncadd.s32 $0xFFFFC000  }
0x12c: {  	[spmem:s2] =	stream.indirect.scatter.add.f32 [tilespmem:s18], [sflag:$0x3], $0x10, s31, s21, $0xb8;
	[tilespmem:$0x1B000] =	vst v63  }
0x12d: {  	_ =	swait.ge [sflag:s19], $0x4000  }
0x12e: {  	[sflag:s19] =	ssyncset.done $0x0  }
0x12f: {  	s1 =	simm.s32 $0x1000;
	[sflag:s19] =	ssyncadd.s32 $0xFFFFC000  }
0x130: {  	[tilespmem:s18], [sflag:$0x1] =	stream.indirect.gather [hbm4b:s5+s21], $0x10, s1, s21, $0xb8;
	[tilespmem:$0x1B000] =	vst v63  }
0x131: {  	_ =	swait.ge [sflag:s26], $0x4000  }
0x132: {  	[sflag:s26] =	ssyncset.done $0x0  }
0x133: {  	s6 =	simm.s32 $0x4000;
	[sflag:s26] =	ssyncadd.s32 $0xFFFFC000  }
0x134: {  	[spmem:s2] =	stream.indirect.scatter.add.f32 [tilespmem:s22], [sflag:$0x3], $0x10, s6, s21, $0xb8;
	[tilespmem:$0x1B000] =	vst v63  }
0x135: {  	_ =	swait.ge [sflag:s19], $0x4000  }
0x136: {  	[sflag:s19] =	ssyncset.done $0x0  }
0x137: {  	[sflag:s19] =	ssyncadd.s32 $0xFFFFC000  }
0x138: {  	[tilespmem:s22], [sflag:$0x2] =	stream.indirect.gather [hbm4b:s5+s21], $0x10, s7, s21, $0xb8;
	[tilespmem:$0x1B000] =	vst v63  }
0x139: {  	_ =	swait.ge [sflag:s23], $0x4000  }
0x13a: {  	[sflag:s23] =	ssyncset.done $0x0  }
0x13b: {  	s14 =	simm.s32 $0x4400;
	[sflag:s23] =	ssyncadd.s32 $0xFFFFC000  }
0x13c: {  	[spmem:s2] =	stream.indirect.scatter.add.f32 [tilespmem:s18], [sflag:$0x3], $0x10, s14, s21, $0xb8;
	[tilespmem:$0x1B000] =	vst v63  }
0x13d: {  	_ =	swait.ge [sflag:s19], $0x4000  }
0x13e: {  	[sflag:s19] =	ssyncset.done $0x0  }
0x13f: {  	[sflag:s19] =	ssyncadd.s32 $0xFFFFC000  }
0x140: {  	[tilespmem:s18], [sflag:$0x1] =	stream.indirect.gather [hbm4b:s5+s21], $0x10, s9, s21, $0xb8;
	[tilespmem:$0x1B000] =	vst v63  }
0x141: {  	_ =	swait.ge [sflag:s26], $0x4000  }
0x142: {  	[sflag:s26] =	ssyncset.done $0x0  }
0x143: {  	[sflag:s26] =	ssyncadd.s32 $0xFFFFC000  }
0x144: {  	[spmem:s2] =	stream.indirect.scatter.add.f32 [tilespmem:s22], [sflag:$0x3], $0x10, s11, s21, $0xb8;
	[tilespmem:$0x1B000] =	vst v63  }
0x145: {  	_ =	swait.ge [sflag:s19], $0x4000  }
0x146: {  	[sflag:s19] =	ssyncset.done $0x0  }
0x147: {  	[sflag:s19] =	ssyncadd.s32 $0xFFFFC000  }
0x148: {  	_ =	swait.ge [sflag:s23], $0x4000  }
0x149: {  	[sflag:s23] =	ssyncset.done $0x0  }
0x14a: {  	[sflag:s23] =	ssyncadd.s32 $0xFFFFC000  }
0x14b: {  	[spmem:s2] =	stream.indirect.scatter.add.f32 [tilespmem:s18], [sflag:$0x3], $0x10, s20, s21, $0xb8;
	[tilespmem:$0x1B000] =	vst v63  }
0x14c: {  	_ =	swait.ge [sflag:s19], $0x4000  }
0x14d: {  	[sflag:s19] =	ssyncset.done $0x0  }
0x14e: {  	[sflag:s19] =	ssyncadd.s32 $0xFFFFC000  }
0x14f: {  	s15 =	stileid.u32;
	[bflag:$0x0] =	sbarrier.arrive $0xFFFF  }
0x150: {  	s14 =	sshll.u32 s15, $0x6;
	s0 =	rddreg [dreg:$0xb]  }
0x151: {  	s14 =	sor.u32 $0x1C03, s14;
	s1 =	rddreg [dreg:$0xf]  }
0x152: {  	[hbm:s0], [sflag:s14] =	dma.local [spmem:s1], $0x1900  }
0x153: {  	_ =	swait.ge [sflag:s19], $0x1900  }
0x154: {  	s13 =	sadd.s32 $0x1, s13;
	s15 =	rddreg [dreg:$0xc]  }
0x155: {  	p0 =	sne.s32 s13, s15  }
.Ltmp1:
0x156: {  	_ = 	snop;
	(pc) =	sbr.rel @p0 .LBB2_1-.Ltmp1, $3  }
0x157: {  	_ =	sdelay $0x1  }
0x158: {  	[sflag:s19] =	ssyncset.done $0x0  }
0x159: {  	[sflag:s19] =	ssyncadd.s32 $0xFFFFE700  }
0x15a: {  	_ =	sfence.sel $0x180000  }
0x15b: {  	[bflag:$0x0] =	sbarrier.arrive $0xFFFF  }
0x15c: {  	_ =	strace $0x90000047  }
0x15d: {  	s0 =	stileid.u32;
	[bflag:$0x2] =	sbarrier.arrive $0xFFFF  }
0x15e: {  	p0 =	sne.s32 s0, $0x0;
	s0 =	rddreg [dreg:$0x3]  }
0x15f: {  	s0 =	sadd.s32 @!p0 $0x100000, s0  }
0x160: {  	[sflag:s0] =	ssyncadd.tile.s32 @!p0 $0x1;
	_ =	shalt  }
.Lfunc_end2:
_tile_overlayer_lowered:
.L_overlay_start_2:
0x161: {  	(tag) =	ssettag $0x2  }
0x162: {  	s0 =	rddreg [dreg:$0x0];
	s2 =	stileid.u32  }
0x163: {  	s1 =	rddreg [dreg:$0x1];
	p0 =	sne.s32 s2, $0x0  }
0x164: {  	s3 =	rddreg [dreg:$0x2];
	[bflag:$0x3] =	sbarrier.arrive $0xFFFF;
	s2 =	simm.s32 @!p0 $0x1C03  }
0x165: {  	[timem:s3], [sflag:s2] =	dma.local @!p0 [hbm:s0], s1  }
0x166: {  	s0 =	simm.s32 @!p0 $0x3  }
0x167: {  	_ =	swait.ge @!p0 [sflag:s0], s1  }
0x168: {  	s1 =	ssub.s32 @!p0 $0x0, s1;
	[sflag:s0] =	ssyncset.done @!p0 $0x0  }
0x169: {  	[sflag:s0] =	ssyncadd.s32 @!p0 s1  }
0x16a: {  	[bflag:$0x3] =	sbarrier.arrive $0xFFFF  }
0x16b: {  	_ =	shalt  }

</sc_bundles>
